<compile_context>
chip_gen: v7x
topology: tpu7x:2x2x1
jax: 0.10.2.dev20260603
libtpu: 0.0.44.dev20260713+nightly
codegen_flags: <defaults>
</compile_context>

<pallas_src>
import jax
import jax.numpy as jnp
from jax import lax
from jax.experimental import pallas as pl
from jax.experimental.pallas import tpu as pltpu
from jax.experimental.pallas import tpu_sc as plsc

N_NODES = 10000
N_EDGES = 320000
D_IN = 128
H_REAL = 50
HP = 64
F_FEAT = 4
FHP = F_FEAT * HP
P_PAIRS = 1024
R_OUT = 3

NC = 2
NS = 16
NW = NC * NS

CHUNK = 80
NCHUNK = 125
EPW = CHUNK * NCHUNK
E_EXT = EPW * NW
N_PAD = 10240
ROWS_PER_TILE = N_PAD // NS

PPW = P_PAIRS // NW



def _tc_stage_a(x_ref, w_ref, b_ref, ws_ref, bs_ref, y_ref, s_ref):
    xb = x_ref[...]
    y_ref[...] = jnp.dot(xb, w_ref[...], preferred_element_type=jnp.float32) + b_ref[...]
    s_ref[...] = jnp.dot(xb, ws_ref[...], preferred_element_type=jnp.float32) + bs_ref[...]


def _tc_stage_c(s0_ref, agg_ref, g_ref, b_ref, w1_ref, b1_ref, ws1_ref, bs1_ref,
                y_ref, s_ref):
    h = s0_ref[...] + agg_ref[0] + agg_ref[1]
    inv_h = 1.0 / H_REAL
    mu = jnp.sum(h, axis=-1, keepdims=True) * inv_h
    q = jnp.sum(h * h, axis=-1, keepdims=True) * inv_h
    var = q - mu * mu
    hn = (h - mu) * lax.rsqrt(var + 1e-5) * g_ref[...] + b_ref[...]
    y_ref[...] = jnp.dot(hn, w1_ref[...], preferred_element_type=jnp.float32) + b1_ref[...]
    s_ref[...] = jnp.dot(hn, ws1_ref[...], preferred_element_type=jnp.float32) + bs1_ref[...]


def _tc_stage_d(s1_ref, agg_ref, lw_ref, lb_ref, a12_ref, u_ref):
    h2 = s1_ref[...] + agg_ref[0] + agg_ref[1]
    h3 = jnp.dot(h2, lw_ref[...], preferred_element_type=jnp.float32) + lb_ref[...]
    u_ref[...] = jnp.dot(h3, a12_ref[...], preferred_element_type=jnp.float32)


def _tc_stage_f(g_ref, b_ref, w_ref, b2_ref, z_ref):
    t = g_ref[...] + b_ref[...]
    t = jnp.where(t >= 0, t, 0.01 * t)
    z_ref[...] = jnp.dot(t, w_ref[...], preferred_element_type=jnp.float32) + b2_ref[...]



def _sc_edge_body(y_hbm, src_hbm, dst_hbm, attr_hbm, zeros_hbm, out_hbm,
                  isrc, idst, attr_v, rows, msg, agg_sh, sem):
    c = lax.axis_index("c")
    s = lax.axis_index("s")
    wid = s * NC + c

    r0 = s * ROWS_PER_TILE
    pltpu.sync_copy(zeros_hbm.at[pl.ds(r0, ROWS_PER_TILE)],
                    agg_sh.at[pl.ds(r0, ROWS_PER_TILE)])
    plsc.subcore_barrier()

    base0 = wid * EPW

    def chunk_body(i, carry):
        base = base0 + i * CHUNK
        cp_s = pltpu.async_copy(src_hbm.at[pl.ds(base, CHUNK)], isrc, sem)
        cp_d = pltpu.async_copy(dst_hbm.at[pl.ds(base, CHUNK)], idst, sem)
        cp_a = pltpu.async_copy(attr_hbm.at[pl.ds(base * F_FEAT, CHUNK * F_FEAT)],
                                attr_v.at[pl.ds(0, CHUNK * F_FEAT)], sem)
        cp_s.wait()
        cp_d.wait()
        cp_a.wait()
        pltpu.async_copy(y_hbm.at[isrc], rows, sem).wait()

        def edge_body(e, carry2):
            av = attr_v[pl.ds(e * F_FEAT, 16)]
            a0 = av[0]
            a1 = av[1]
            a2 = av[2]
            a3 = av[3]
            for hc in range(HP // 16):
                off = hc * 16
                v = (a0 * rows[e, pl.ds(0 * HP + off, 16)]
                     + a1 * rows[e, pl.ds(1 * HP + off, 16)]
                     + a2 * rows[e, pl.ds(2 * HP + off, 16)]
                     + a3 * rows[e, pl.ds(3 * HP + off, 16)])
                msg[e, pl.ds(off, 16)] = v
            return carry2

        lax.fori_loop(0, CHUNK, edge_body, 0)
        pltpu.sync_copy(msg, agg_sh.at[idst], add=True)
        return carry

    lax.fori_loop(0, NCHUNK, chunk_body, 0)
    plsc.subcore_barrier()
    pltpu.sync_copy(agg_sh.at[pl.ds(r0, ROWS_PER_TILE)],
                    out_hbm.at[c, pl.ds(r0, ROWS_PER_TILE)])


def _sc_edge_pass(y, src, dst, attr_flat, zeros_nh):
    mesh = plsc.VectorSubcoreMesh(core_axis_name="c", subcore_axis_name="s")
    return pl.kernel(
        _sc_edge_body,
        out_type=jax.ShapeDtypeStruct((NC, N_PAD, HP), jnp.float32),
        mesh=mesh,
        scratch_types=[
            pltpu.VMEM((CHUNK,), jnp.int32),
            pltpu.VMEM((CHUNK,), jnp.int32),
            pltpu.VMEM((CHUNK * F_FEAT + 16,), jnp.float32),
            pltpu.VMEM((CHUNK, FHP), jnp.float32),
            pltpu.VMEM((CHUNK, HP), jnp.float32),
            pltpu.VMEM_SHARED((N_PAD, HP), jnp.float32),
            pltpu.SemaphoreType.DMA,
        ],
    )(y, src, dst, attr_flat, zeros_nh)


def _sc_gather_body(u_hbm, e1_hbm, e2_hbm, out_hbm,
                    i1, i2, r1, r2, g_v, sem):
    c = lax.axis_index("c")
    s = lax.axis_index("s")
    wid = s * NC + c
    base = wid * PPW
    cp1 = pltpu.async_copy(e1_hbm.at[pl.ds(base, PPW)], i1, sem)
    cp2 = pltpu.async_copy(e2_hbm.at[pl.ds(base, PPW)], i2, sem)
    cp1.wait()
    cp2.wait()
    pltpu.async_copy(u_hbm.at[i1], r1, sem).wait()
    pltpu.async_copy(u_hbm.at[i2], r2, sem).wait()

    def row_body(e, carry):
        for hc in range(HP // 16):
            off = hc * 16
            g_v[e, pl.ds(off, 16)] = (r1[e, pl.ds(off, 16)]
                                      + r2[e, pl.ds(HP + off, 16)])
        return carry

    lax.fori_loop(0, PPW, row_body, 0)
    pltpu.sync_copy(g_v, out_hbm.at[pl.ds(base, PPW)])


def _sc_event_gather(u, e1, e2):
    mesh = plsc.VectorSubcoreMesh(core_axis_name="c", subcore_axis_name="s")
    return pl.kernel(
        _sc_gather_body,
        out_type=jax.ShapeDtypeStruct((P_PAIRS, HP), jnp.float32),
        mesh=mesh,
        scratch_types=[
            pltpu.VMEM((PPW,), jnp.int32),
            pltpu.VMEM((PPW,), jnp.int32),
            pltpu.VMEM((PPW, 2 * HP), jnp.float32),
            pltpu.VMEM((PPW, 2 * HP), jnp.float32),
            pltpu.VMEM((PPW, HP), jnp.float32),
            pltpu.SemaphoreType.DMA,
        ],
    )(u, e1, e2)



def _pad_to(a, shape):
    pads = [(0, t - s) for s, t in zip(a.shape, shape)]
    return jnp.pad(a, pads)


def kernel(x, edge_index, edge_attr, event1, event2, c0_W, c0_b, c0_Ws, c0_bs,
           c1_W, c1_b, c1_Ws, c1_bs, ln_g, ln_b, lin_W, lin_b, mp1_W, mp1_b,
           mp2_W, mp2_b):
    f32 = jnp.float32
    w0 = _pad_to(jnp.transpose(c0_W, (2, 0, 1)), (D_IN, F_FEAT, HP)).reshape(D_IN, FHP)
    b0 = _pad_to(c0_b, (F_FEAT, HP)).reshape(1, FHP)
    ws0 = _pad_to(c0_Ws.T, (D_IN, HP))
    bs0 = _pad_to(c0_bs, (HP,)).reshape(1, HP)
    w1 = _pad_to(jnp.transpose(c1_W, (2, 0, 1)), (HP, F_FEAT, HP)).reshape(HP, FHP)
    b1 = _pad_to(c1_b, (F_FEAT, HP)).reshape(1, FHP)
    ws1 = _pad_to(c1_Ws.T, (HP, HP))
    bs1 = _pad_to(c1_bs, (HP,)).reshape(1, HP)
    lng = _pad_to(ln_g, (HP,)).reshape(1, HP)
    lnb = _pad_to(ln_b, (HP,)).reshape(1, HP)
    lw = _pad_to(lin_W.T, (HP, HP))
    lb = _pad_to(lin_b, (HP,)).reshape(1, HP)
    a12 = jnp.concatenate([_pad_to(mp1_W[:, :H_REAL].T, (HP, HP)),
                           _pad_to(mp1_W[:, H_REAL:].T, (HP, HP))], axis=1)
    mb1 = _pad_to(mp1_b, (HP,)).reshape(1, HP)
    w2 = _pad_to(mp2_W.T, (HP, 128))
    mb2 = _pad_to(mp2_b, (128,)).reshape(1, 128)

    src = edge_index[0]
    dst = edge_index[1]
    attr_flat = edge_attr.reshape(-1)
    zeros_nh = jnp.zeros((N_PAD, HP), dtype=f32)

    bn = 1000
    nb = N_NODES // bn

    y0, s0 = pl.pallas_call(
        _tc_stage_a,
        grid=(nb,),
        in_specs=[
            pl.BlockSpec((bn, D_IN), lambda i: (i, 0)),
            pl.BlockSpec((D_IN, FHP), lambda i: (0, 0)),
            pl.BlockSpec((1, FHP), lambda i: (0, 0)),
            pl.BlockSpec((D_IN, HP), lambda i: (0, 0)),
            pl.BlockSpec((1, HP), lambda i: (0, 0)),
        ],
        out_specs=[
            pl.BlockSpec((bn, FHP), lambda i: (i, 0)),
            pl.BlockSpec((bn, HP), lambda i: (i, 0)),
        ],
        out_shape=[
            jax.ShapeDtypeStruct((N_NODES, FHP), f32),
            jax.ShapeDtypeStruct((N_NODES, HP), f32),
        ],
    )(x, w0, b0, ws0, bs0)

    agg0 = _sc_edge_pass(y0, src, dst, attr_flat, zeros_nh)

    y1, s1 = pl.pallas_call(
        _tc_stage_c,
        grid=(nb,),
        in_specs=[
            pl.BlockSpec((bn, HP), lambda i: (i, 0)),
            pl.BlockSpec((NC, bn, HP), lambda i: (0, i, 0)),
            pl.BlockSpec((1, HP), lambda i: (0, 0)),
            pl.BlockSpec((1, HP), lambda i: (0, 0)),
            pl.BlockSpec((HP, FHP), lambda i: (0, 0)),
            pl.BlockSpec((1, FHP), lambda i: (0, 0)),
            pl.BlockSpec((HP, HP), lambda i: (0, 0)),
            pl.BlockSpec((1, HP), lambda i: (0, 0)),
        ],
        out_specs=[
            pl.BlockSpec((bn, FHP), lambda i: (i, 0)),
            pl.BlockSpec((bn, HP), lambda i: (i, 0)),
        ],
        out_shape=[
            jax.ShapeDtypeStruct((N_NODES, FHP), f32),
            jax.ShapeDtypeStruct((N_NODES, HP), f32),
        ],
    )(s0, agg0, lng, lnb, w1, b1, ws1, bs1)

    agg1 = _sc_edge_pass(y1, src, dst, attr_flat, zeros_nh)

    u = pl.pallas_call(
        _tc_stage_d,
        grid=(nb,),
        in_specs=[
            pl.BlockSpec((bn, HP), lambda i: (i, 0)),
            pl.BlockSpec((NC, bn, HP), lambda i: (0, i, 0)),
            pl.BlockSpec((HP, HP), lambda i: (0, 0)),
            pl.BlockSpec((1, HP), lambda i: (0, 0)),
            pl.BlockSpec((HP, 2 * HP), lambda i: (0, 0)),
        ],
        out_specs=pl.BlockSpec((bn, 2 * HP), lambda i: (i, 0)),
        out_shape=jax.ShapeDtypeStruct((N_NODES, 2 * HP), f32),
    )(s1, agg1, lw, lb, a12)

    g = _sc_event_gather(u, event1, event2)

    z = pl.pallas_call(
        _tc_stage_f,
        grid=(1,),
        in_specs=[
            pl.BlockSpec((P_PAIRS, HP), lambda i: (0, 0)),
            pl.BlockSpec((1, HP), lambda i: (0, 0)),
            pl.BlockSpec((HP, 128), lambda i: (0, 0)),
            pl.BlockSpec((1, 128), lambda i: (0, 0)),
        ],
        out_specs=pl.BlockSpec((P_PAIRS, 128), lambda i: (0, 0)),
        out_shape=jax.ShapeDtypeStruct((P_PAIRS, 128), f32),
    )(g, mb1, w2, mb2)

    return z[:, :R_OUT]

# --- scband reference (transcript-rebuilt; emitter-appended) ---
"""Pipeline reference for scband-gnnrelation-prediction-24352464569931 (READ-ONLY COPY).

The authoritative reference and input builder live on the scoring server;
editing this copy changes nothing except your own understanding.
"""

import jax, jax.numpy as jnp
import numpy as np

N = 10000
E = 320000
D = 128
H = 50
F = 4
P = 1024
R = 3

def setup_inputs(seed: int = 0):
    key = jax.random.key(seed)
    ks = jax.random.split(key, 24)
    inp = {}
    inp["x"] = jax.random.normal(ks[0], (N, D), dtype=jnp.float32)
    inp["edge_index"] = jax.random.randint(ks[1], (2, E), 0, N, dtype=jnp.int32)
    inp["edge_attr"] = jax.random.uniform(ks[2], (E, F), dtype=jnp.float32)
    inp["event1"] = jax.random.randint(ks[3], (P,), 0, N, dtype=jnp.int32)
    inp["event2"] = jax.random.randint(ks[4], (P,), 0, N, dtype=jnp.int32)
    s = 0.05
    inp["c0_W"] = jax.random.normal(ks[5], (F, H, D), dtype=jnp.float32) * s
    inp["c0_b"] = jax.random.normal(ks[6], (F, H), dtype=jnp.float32) * s
    inp["c0_Ws"] = jax.random.normal(ks[7], (H, D), dtype=jnp.float32) * s
    inp["c0_bs"] = jax.random.normal(ks[8], (H,), dtype=jnp.float32) * s
    inp["c1_W"] = jax.random.normal(ks[9], (F, H, H), dtype=jnp.float32) * s
    inp["c1_b"] = jax.random.normal(ks[10], (F, H), dtype=jnp.float32) * s
    inp["c1_Ws"] = jax.random.normal(ks[11], (H, H), dtype=jnp.float32) * s
    inp["c1_bs"] = jax.random.normal(ks[12], (H,), dtype=jnp.float32) * s
    inp["ln_g"] = jnp.ones((H,), dtype=jnp.float32)
    inp["ln_b"] = jnp.zeros((H,), dtype=jnp.float32)
    inp["lin_W"] = jax.random.normal(ks[13], (H, H), dtype=jnp.float32) * s
    inp["lin_b"] = jax.random.normal(ks[14], (H,), dtype=jnp.float32) * s
    inp["mp1_W"] = jax.random.normal(ks[15], (H, 2 * H), dtype=jnp.float32) * s
    inp["mp1_b"] = jax.random.normal(ks[16], (H,), dtype=jnp.float32) * s
    inp["mp2_W"] = jax.random.normal(ks[17], (R, H), dtype=jnp.float32) * s
    inp["mp2_b"] = jax.random.normal(ks[18], (R,), dtype=jnp.float32) * s
    return inp

def _conv(x, edge_index, edge_attr, W, b, Ws, bs):
    # TemporalRelationAggregation: self loop + sum_f (Lin_f(x_j) * edge_attr[:, f]) scatter-added to dst
    self_x = x @ Ws.T + bs
    src = edge_index[0]
    dst = edge_index[1]
    xj = jnp.take(x, src, axis=0)
    per = jnp.einsum('ed,fhd->efh', xj, W) + b[None, :, :]
    msg = jnp.einsum('efh,ef->eh', per, edge_attr)
    agg = jax.ops.segment_sum(msg, dst, num_segments=x.shape[0])
    return self_x + agg

def _ln(x, g, b):
    mu = jnp.mean(x, axis=-1, keepdims=True)
    var = jnp.var(x, axis=-1, keepdims=True)
    return (x - mu) / jnp.sqrt(var + 1e-5) * g + b

def reference(x, edge_index, edge_attr, event1, event2, c0_W, c0_b, c0_Ws, c0_bs, c1_W, c1_b, c1_Ws, c1_bs, ln_g, ln_b, lin_W, lin_b, mp1_W, mp1_b, mp2_W, mp2_b):
    h = _conv(x, edge_index, edge_attr, c0_W, c0_b, c0_Ws, c0_bs)
    h = _ln(h, ln_g, ln_b)
    h = _conv(h, edge_index, edge_attr, c1_W, c1_b, c1_Ws, c1_bs)
    h = h @ lin_W.T + lin_b
    e1 = jnp.take(h, event1, axis=0)
    e2 = jnp.take(h, event2, axis=0)
    z = jnp.concatenate([e1, e2], axis=1)
    z = z @ mp1_W.T + mp1_b
    # dropout is identity in eval mode
    z = jnp.where(z >= 0, z, 0.01 * z)
    z = z @ mp2_W.T + mp2_b
    return z

if __name__ == "__main__":
    import jax
    _d = setup_inputs()
    print(jax.jit(kernel)(*tuple(_d.values())))

</pallas_src>

<mosaic_0001>
#map = affine_map<(d0, d1) -> (0, 0)>
#map1 = affine_map<(d0, d1) -> (0)>
#map2 = affine_map<(d0, d1) -> (0, 0, 0)>
module attributes {stable_mosaic.version = 14 : i64} {
  func.func @_sc_edge_body(%arg0: i32, %arg1: i32, %arg2: memref<10000x256xf32, #tpu.memory_space<hbm>>, %arg3: memref<320000xi32, #tpu.memory_space<hbm>>, %arg4: memref<320000xi32, #tpu.memory_space<hbm>>, %arg5: memref<1280000xf32, #tpu.memory_space<hbm>>, %arg6: memref<10240x64xf32, #tpu.memory_space<hbm>>, %arg7: memref<2x10240x64xf32, #tpu.memory_space<hbm>>, %arg8: memref<80xi32, #tpu.memory_space<vmem>>, %arg9: memref<80xi32, #tpu.memory_space<vmem>>, %arg10: memref<336xf32, #tpu.memory_space<vmem>>, %arg11: memref<80x256xf32, #tpu.memory_space<vmem>>, %arg12: memref<80x64xf32, #tpu.memory_space<vmem>>, %arg13: memref<10240x64xf32, #tpu.memory_space<vmem_shared>>, %arg14: memref<!tpu.dma_semaphore, #tpu.memory_space<semaphore_mem>>) attributes {dimension_semantics = [#tpu.dimension_semantics<core_parallel>, #tpu.dimension_semantics<subcore_parallel>], iteration_bounds = array<i64: 2, 16>, scalar_prefetch = 0 : i64, scratch_operands = 7 : i64, tpu.core_type = #tpu.core_type<sc_vector_subcore>, window_params = [{transform_indices = #map}, {transform_indices = #map1}, {transform_indices = #map1}, {transform_indices = #map1}, {transform_indices = #map}, {transform_indices = #map2}]} {
    %mul3A = arith.constant 2 : i32
    %mul3A_0 = arith.muli %arg1, %mul3A : i32
    %add3A = arith.addi %mul3A_0, %arg0 : i32
    %mul3A_1 = arith.constant 640 : i32
    %mul3A_2 = arith.muli %arg1, %mul3A_1 : i32
    "tpu.region"() ({
      %run_scoped3A = tpu.sem_alloc : memref<!tpu.dma_semaphore, #tpu.memory_space<semaphore_mem>>
      %dma_start3A = arith.constant 0 : i32
      %dma_start3A_11 = tpu.memref_slice %arg13[%mul3A_2, %dma_start3A] : memref<10240x64xf32, #tpu.memory_space<vmem_shared>> -> memref<640x64xf32, #tpu.memory_space<vmem_shared>>
      %dma_start3A_12 = arith.constant 0 : i32
      %dma_start3A_13 = tpu.memref_slice %arg6[%mul3A_2, %dma_start3A_12] : memref<10240x64xf32, #tpu.memory_space<hbm>> -> memref<640x64xf32, #tpu.memory_space<hbm>>
      tpu.enqueue_dma source(%dma_start3A_13 : memref<640x64xf32, #tpu.memory_space<hbm>>) target(%dma_start3A_11 : memref<640x64xf32, #tpu.memory_space<vmem_shared>>) target_semaphore(%run_scoped3A : memref<!tpu.dma_semaphore, #tpu.memory_space<semaphore_mem>>)
      %dma_wait3A = arith.constant 0 : i32
      %dma_wait3A_14 = tpu.memref_slice %arg13[%mul3A_2, %dma_wait3A] : memref<10240x64xf32, #tpu.memory_space<vmem_shared>> -> memref<640x64xf32, #tpu.memory_space<vmem_shared>>
      %dma_wait3A_15 = arith.constant 0 : i32
      %dma_wait3A_16 = tpu.memref_slice %arg6[%mul3A_2, %dma_wait3A_15] : memref<10240x64xf32, #tpu.memory_space<hbm>> -> memref<640x64xf32, #tpu.memory_space<hbm>>
      tpu.wait_dma2 semaphore(%run_scoped3A : memref<!tpu.dma_semaphore, #tpu.memory_space<semaphore_mem>>) src(%dma_wait3A_16 : memref<640x64xf32, #tpu.memory_space<hbm>>) dst(%dma_wait3A_14 : memref<640x64xf32, #tpu.memory_space<vmem_shared>>)
      tpu.yield
    }) : () -> ()
    %barrier3A = arith.constant 0 : index
    tpu.barrier barrier_id(%barrier3A)
    %mul3A_3 = arith.constant 10000 : i32
    %mul3A_4 = arith.muli %add3A, %mul3A_3 : i32
    %scan3A = arith.constant 0 : i32
    %scan3A_5 = arith.constant 0 : i32
    %scan3A_6 = arith.constant 125 : i32
    %scan3A_7 = arith.addi %scan3A_5, %scan3A_6 : i32
    %scan3A_8 = arith.constant 1 : i32
    scf.for %scan3A_11 = %scan3A_5 to %scan3A_7 step %scan3A_8  : i32 {
      %mul3A_12 = arith.constant 80 : i32
      %mul3A_13 = arith.muli %scan3A_11, %mul3A_12 : i32
      %add3A_14 = arith.addi %mul3A_4, %mul3A_13 : i32
      %dma_start3A = tpu.memref_slice %arg3[%add3A_14] : memref<320000xi32, #tpu.memory_space<hbm>> -> memref<80xi32, #tpu.memory_space<hbm>>
      %dma_start3A_15 = tpu.memref_slice %arg3[%add3A_14] : memref<320000xi32, #tpu.memory_space<hbm>> -> memref<80xi32, #tpu.memory_space<hbm>>
      tpu.enqueue_dma source(%dma_start3A_15 : memref<80xi32, #tpu.memory_space<hbm>>) target(%arg8 : memref<80xi32, #tpu.memory_space<vmem>>) target_semaphore(%arg14 : memref<!tpu.dma_semaphore, #tpu.memory_space<semaphore_mem>>)
      %dma_start3A_16 = tpu.memref_slice %arg4[%add3A_14] : memref<320000xi32, #tpu.memory_space<hbm>> -> memref<80xi32, #tpu.memory_space<hbm>>
      %dma_start3A_17 = tpu.memref_slice %arg4[%add3A_14] : memref<320000xi32, #tpu.memory_space<hbm>> -> memref<80xi32, #tpu.memory_space<hbm>>
      tpu.enqueue_dma source(%dma_start3A_17 : memref<80xi32, #tpu.memory_space<hbm>>) target(%arg9 : memref<80xi32, #tpu.memory_space<vmem>>) target_semaphore(%arg14 : memref<!tpu.dma_semaphore, #tpu.memory_space<semaphore_mem>>)
      %mul3A_18 = arith.constant 4 : i32
      %mul3A_19 = arith.muli %add3A_14, %mul3A_18 : i32
      %dma_start3A_20 = arith.constant 0 : i32
      %dma_start3A_21 = tpu.memref_slice %arg10[%dma_start3A_20] : memref<336xf32, #tpu.memory_space<vmem>> -> memref<320xf32, #tpu.memory_space<vmem>>
      %dma_start3A_22 = tpu.memref_slice %arg5[%mul3A_19] : memref<1280000xf32, #tpu.memory_space<hbm>> -> memref<320xf32, #tpu.memory_space<hbm>>
      %dma_start3A_23 = arith.constant 0 : i32
      %dma_start3A_24 = tpu.memref_slice %arg10[%dma_start3A_23] : memref<336xf32, #tpu.memory_space<vmem>> -> memref<320xf32, #tpu.memory_space<vmem>>
      %dma_start3A_25 = tpu.memref_slice %arg5[%mul3A_19] : memref<1280000xf32, #tpu.memory_space<hbm>> -> memref<320xf32, #tpu.memory_space<hbm>>
      tpu.enqueue_dma source(%dma_start3A_25 : memref<320xf32, #tpu.memory_space<hbm>>) target(%dma_start3A_24 : memref<320xf32, #tpu.memory_space<vmem>>) target_semaphore(%arg14 : memref<!tpu.dma_semaphore, #tpu.memory_space<semaphore_mem>>)
      %dma_wait3A = tpu.memref_slice %arg3[%add3A_14] : memref<320000xi32, #tpu.memory_space<hbm>> -> memref<80xi32, #tpu.memory_space<hbm>>
      %dma_wait3A_26 = tpu.memref_slice %arg3[%add3A_14] : memref<320000xi32, #tpu.memory_space<hbm>> -> memref<80xi32, #tpu.memory_space<hbm>>
      tpu.wait_dma2 semaphore(%arg14 : memref<!tpu.dma_semaphore, #tpu.memory_space<semaphore_mem>>) src(%dma_wait3A_26 : memref<80xi32, #tpu.memory_space<hbm>>) dst(%arg8 : memref<80xi32, #tpu.memory_space<vmem>>)
      %dma_wait3A_27 = tpu.memref_slice %arg4[%add3A_14] : memref<320000xi32, #tpu.memory_space<hbm>> -> memref<80xi32, #tpu.memory_space<hbm>>
      %dma_wait3A_28 = tpu.memref_slice %arg4[%add3A_14] : memref<320000xi32, #tpu.memory_space<hbm>> -> memref<80xi32, #tpu.memory_space<hbm>>
      tpu.wait_dma2 semaphore(%arg14 : memref<!tpu.dma_semaphore, #tpu.memory_space<semaphore_mem>>) src(%dma_wait3A_28 : memref<80xi32, #tpu.memory_space<hbm>>) dst(%arg9 : memref<80xi32, #tpu.memory_space<vmem>>)
      %dma_wait3A_29 = arith.constant 0 : i32
      %dma_wait3A_30 = tpu.memref_slice %arg10[%dma_wait3A_29] : memref<336xf32, #tpu.memory_space<vmem>> -> memref<320xf32, #tpu.memory_space<vmem>>
      %dma_wait3A_31 = tpu.memref_slice %arg5[%mul3A_19] : memref<1280000xf32, #tpu.memory_space<hbm>> -> memref<320xf32, #tpu.memory_space<hbm>>
      %dma_wait3A_32 = arith.constant 0 : i32
      %dma_wait3A_33 = tpu.memref_slice %arg10[%dma_wait3A_32] : memref<336xf32, #tpu.memory_space<vmem>> -> memref<320xf32, #tpu.memory_space<vmem>>
      %dma_wait3A_34 = tpu.memref_slice %arg5[%mul3A_19] : memref<1280000xf32, #tpu.memory_space<hbm>> -> memref<320xf32, #tpu.memory_space<hbm>>
      tpu.wait_dma2 semaphore(%arg14 : memref<!tpu.dma_semaphore, #tpu.memory_space<semaphore_mem>>) src(%dma_wait3A_34 : memref<320xf32, #tpu.memory_space<hbm>>) dst(%dma_wait3A_33 : memref<320xf32, #tpu.memory_space<vmem>>)
      %dma_start3A_35 = arith.constant 0 : i32
      %dma_start3A_36 = arith.constant 0 : i32
      %dma_start3A_37 = tpu.memref_slice %arg2[%dma_start3A_35, %dma_start3A_36] : memref<10000x256xf32, #tpu.memory_space<hbm>> -> memref<10000x256xf32, #tpu.memory_space<hbm>>
      tpu.enqueue_indirect_dma source(%dma_start3A_37 : memref<10000x256xf32, #tpu.memory_space<hbm>>) target(%arg11 : memref<80x256xf32, #tpu.memory_space<vmem>>) offsets(%arg8 : memref<80xi32, #tpu.memory_space<vmem>>) semaphore(%arg14 : memref<!tpu.dma_semaphore, #tpu.memory_space<semaphore_mem>>)
      %dma_wait3A_38 = arith.constant 0 : i32
      %dma_wait3A_39 = arith.constant 0 : i32
      %dma_wait3A_40 = tpu.memref_slice %arg2[%dma_wait3A_38, %dma_wait3A_39] : memref<10000x256xf32, #tpu.memory_space<hbm>> -> memref<10000x256xf32, #tpu.memory_space<hbm>>
      tpu.wait_indirect_dma semaphore(%arg14 : memref<!tpu.dma_semaphore, #tpu.memory_space<semaphore_mem>>) src(%dma_wait3A_40 : memref<10000x256xf32, #tpu.memory_space<hbm>>) dst(%arg11 : memref<80x256xf32, #tpu.memory_space<vmem>>)
      %scan3A_41 = arith.constant 0 : i32
      %scan3A_42 = arith.constant 0 : i32
      %scan3A_43 = arith.constant 80 : i32
      %scan3A_44 = arith.addi %scan3A_42, %scan3A_43 : i32
      %scan3A_45 = arith.constant 1 : i32
      scf.for %scan3A_47 = %scan3A_42 to %scan3A_44 step %scan3A_45  : i32 {
        %mul3A_48 = arith.constant 4 : i32
        %mul3A_49 = arith.muli %scan3A_47, %mul3A_48 : i32
        %get3A = arith.index_cast %mul3A_49 : i32 to index
        %get3A_50 = tpu.vector_load %arg10[%get3A] {strides = array<i32>} : memref<336xf32, #tpu.memory_space<vmem>>, vector<16xf32>,
        %get3A_51 = vector.shape_cast %get3A_50 : vector<16xf32> to vector<16xf32>
        %slice3A = vector.extract_strided_slice %get3A_51 {offsets = [0], sizes = [1], strides = [1]} : vector<16xf32> to vector<1xf32>
        %squeeze3A = vector.extract %slice3A[0] : f32 from vector<1xf32>
        %slice3A_52 = vector.extract_strided_slice %get3A_51 {offsets = [1], sizes = [1], strides = [1]} : vector<16xf32> to vector<1xf32>
        %squeeze3A_53 = vector.extract %slice3A_52[0] : f32 from vector<1xf32>
        %slice3A_54 = vector.extract_strided_slice %get3A_51 {offsets = [2], sizes = [1], strides = [1]} : vector<16xf32> to vector<1xf32>
        %squeeze3A_55 = vector.extract %slice3A_54[0] : f32 from vector<1xf32>
        %slice3A_56 = vector.extract_strided_slice %get3A_51 {offsets = [3], sizes = [1], strides = [1]} : vector<16xf32> to vector<1xf32>
        %squeeze3A_57 = vector.extract %slice3A_56[0] : f32 from vector<1xf32>
        %get3A_58 = arith.index_cast %scan3A_47 : i32 to index
        %get3A_59 = arith.constant 0 : index
        %get3A_60 = tpu.vector_load %arg11[%get3A_58, %get3A_59] {strides = array<i32>} : memref<80x256xf32, #tpu.memory_space<vmem>>, vector<1x16xf32>,
        %get3A_61 = vector.shape_cast %get3A_60 : vector<1x16xf32> to vector<16xf32>
        %mul3A_62 = vector.broadcast %squeeze3A : f32 to vector<16xf32>
        %mul3A_63 = arith.mulf %mul3A_62, %get3A_61 : vector<16xf32>
        %get3A_64 = arith.index_cast %scan3A_47 : i32 to index
        %get3A_65 = arith.constant 64 : index
        %get3A_66 = tpu.vector_load %arg11[%get3A_64, %get3A_65] {strides = array<i32>} : memref<80x256xf32, #tpu.memory_space<vmem>>, vector<1x16xf32>,
        %get3A_67 = vector.shape_cast %get3A_66 : vector<1x16xf32> to vector<16xf32>
        %mul3A_68 = vector.broadcast %squeeze3A_53 : f32 to vector<16xf32>
        %mul3A_69 = arith.mulf %mul3A_68, %get3A_67 : vector<16xf32>
        %add3A_70 = arith.addf %mul3A_63, %mul3A_69 : vector<16xf32>
        %get3A_71 = arith.index_cast %scan3A_47 : i32 to index
        %get3A_72 = arith.constant 128 : index
        %get3A_73 = tpu.vector_load %arg11[%get3A_71, %get3A_72] {strides = array<i32>} : memref<80x256xf32, #tpu.memory_space<vmem>>, vector<1x16xf32>,
        %get3A_74 = vector.shape_cast %get3A_73 : vector<1x16xf32> to vector<16xf32>
        %mul3A_75 = vector.broadcast %squeeze3A_55 : f32 to vector<16xf32>
        %mul3A_76 = arith.mulf %mul3A_75, %get3A_74 : vector<16xf32>
        %add3A_77 = arith.addf %add3A_70, %mul3A_76 : vector<16xf32>
        %get3A_78 = arith.index_cast %scan3A_47 : i32 to index
        %get3A_79 = arith.constant 192 : index
        %get3A_80 = tpu.vector_load %arg11[%get3A_78, %get3A_79] {strides = array<i32>} : memref<80x256xf32, #tpu.memory_space<vmem>>, vector<1x16xf32>,
        %get3A_81 = vector.shape_cast %get3A_80 : vector<1x16xf32> to vector<16xf32>
        %mul3A_82 = vector.broadcast %squeeze3A_57 : f32 to vector<16xf32>
        %mul3A_83 = arith.mulf %mul3A_82, %get3A_81 : vector<16xf32>
        %add3A_84 = arith.addf %add3A_77, %mul3A_83 : vector<16xf32>
        %swap3A = arith.index_cast %scan3A_47 : i32 to index
        %swap3A_85 = arith.constant 0 : index
        %swap3A_86 = tpu.vector_load %arg12[%swap3A, %swap3A_85] {strides = array<i32>} : memref<80x64xf32, #tpu.memory_space<vmem>>, vector<1x16xf32>,
        %swap3A_87 = vector.shape_cast %swap3A_86 : vector<1x16xf32> to vector<16xf32>
        %swap3A_88 = vector.shape_cast %add3A_84 : vector<16xf32> to vector<1x16xf32>
        tpu.vector_store %arg12[%swap3A, %swap3A_85], %swap3A_88 {strides = array<i32>} : memref<80x64xf32, #tpu.memory_space<vmem>>, vector<1x16xf32>,
        %get3A_89 = arith.index_cast %scan3A_47 : i32 to index
        %get3A_90 = arith.constant 16 : index
        %get3A_91 = tpu.vector_load %arg11[%get3A_89, %get3A_90] {strides = array<i32>} : memref<80x256xf32, #tpu.memory_space<vmem>>, vector<1x16xf32>,
        %get3A_92 = vector.shape_cast %get3A_91 : vector<1x16xf32> to vector<16xf32>
        %mul3A_93 = vector.broadcast %squeeze3A : f32 to vector<16xf32>
        %mul3A_94 = arith.mulf %mul3A_93, %get3A_92 : vector<16xf32>
        %get3A_95 = arith.index_cast %scan3A_47 : i32 to index
        %get3A_96 = arith.constant 80 : index
        %get3A_97 = tpu.vector_load %arg11[%get3A_95, %get3A_96] {strides = array<i32>} : memref<80x256xf32, #tpu.memory_space<vmem>>, vector<1x16xf32>,
        %get3A_98 = vector.shape_cast %get3A_97 : vector<1x16xf32> to vector<16xf32>
        %mul3A_99 = vector.broadcast %squeeze3A_53 : f32 to vector<16xf32>
        %mul3A_100 = arith.mulf %mul3A_99, %get3A_98 : vector<16xf32>
        %add3A_101 = arith.addf %mul3A_94, %mul3A_100 : vector<16xf32>
        %get3A_102 = arith.index_cast %scan3A_47 : i32 to index
        %get3A_103 = arith.constant 144 : index
        %get3A_104 = tpu.vector_load %arg11[%get3A_102, %get3A_103] {strides = array<i32>} : memref<80x256xf32, #tpu.memory_space<vmem>>, vector<1x16xf32>,
        %get3A_105 = vector.shape_cast %get3A_104 : vector<1x16xf32> to vector<16xf32>
        %mul3A_106 = vector.broadcast %squeeze3A_55 : f32 to vector<16xf32>
        %mul3A_107 = arith.mulf %mul3A_106, %get3A_105 : vector<16xf32>
        %add3A_108 = arith.addf %add3A_101, %mul3A_107 : vector<16xf32>
        %get3A_109 = arith.index_cast %scan3A_47 : i32 to index
        %get3A_110 = arith.constant 208 : index
        %get3A_111 = tpu.vector_load %arg11[%get3A_109, %get3A_110] {strides = array<i32>} : memref<80x256xf32, #tpu.memory_space<vmem>>, vector<1x16xf32>,
        %get3A_112 = vector.shape_cast %get3A_111 : vector<1x16xf32> to vector<16xf32>
        %mul3A_113 = vector.broadcast %squeeze3A_57 : f32 to vector<16xf32>
        %mul3A_114 = arith.mulf %mul3A_113, %get3A_112 : vector<16xf32>
        %add3A_115 = arith.addf %add3A_108, %mul3A_114 : vector<16xf32>
        %swap3A_116 = arith.index_cast %scan3A_47 : i32 to index
        %swap3A_117 = arith.constant 16 : index
        %swap3A_118 = tpu.vector_load %arg12[%swap3A_116, %swap3A_117] {strides = array<i32>} : memref<80x64xf32, #tpu.memory_space<vmem>>, vector<1x16xf32>,
        %swap3A_119 = vector.shape_cast %swap3A_118 : vector<1x16xf32> to vector<16xf32>
        %swap3A_120 = vector.shape_cast %add3A_115 : vector<16xf32> to vector<1x16xf32>
        tpu.vector_store %arg12[%swap3A_116, %swap3A_117], %swap3A_120 {strides = array<i32>} : memref<80x64xf32, #tpu.memory_space<vmem>>, vector<1x16xf32>,
        %get3A_121 = arith.index_cast %scan3A_47 : i32 to index
        %get3A_122 = arith.constant 32 : index
        %get3A_123 = tpu.vector_load %arg11[%get3A_121, %get3A_122] {strides = array<i32>} : memref<80x256xf32, #tpu.memory_space<vmem>>, vector<1x16xf32>,
        %get3A_124 = vector.shape_cast %get3A_123 : vector<1x16xf32> to vector<16xf32>
        %mul3A_125 = vector.broadcast %squeeze3A : f32 to vector<16xf32>
        %mul3A_126 = arith.mulf %mul3A_125, %get3A_124 : vector<16xf32>
        %get3A_127 = arith.index_cast %scan3A_47 : i32 to index
        %get3A_128 = arith.constant 96 : index
        %get3A_129 = tpu.vector_load %arg11[%get3A_127, %get3A_128] {strides = array<i32>} : memref<80x256xf32, #tpu.memory_space<vmem>>, vector<1x16xf32>,
        %get3A_130 = vector.shape_cast %get3A_129 : vector<1x16xf32> to vector<16xf32>
        %mul3A_131 = vector.broadcast %squeeze3A_53 : f32 to vector<16xf32>
        %mul3A_132 = arith.mulf %mul3A_131, %get3A_130 : vector<16xf32>
        %add3A_133 = arith.addf %mul3A_126, %mul3A_132 : vector<16xf32>
        %get3A_134 = arith.index_cast %scan3A_47 : i32 to index
        %get3A_135 = arith.constant 160 : index
        %get3A_136 = tpu.vector_load %arg11[%get3A_134, %get3A_135] {strides = array<i32>} : memref<80x256xf32, #tpu.memory_space<vmem>>, vector<1x16xf32>,
        %get3A_137 = vector.shape_cast %get3A_136 : vector<1x16xf32> to vector<16xf32>
        %mul3A_138 = vector.broadcast %squeeze3A_55 : f32 to vector<16xf32>
        %mul3A_139 = arith.mulf %mul3A_138, %get3A_137 : vector<16xf32>
        %add3A_140 = arith.addf %add3A_133, %mul3A_139 : vector<16xf32>
        %get3A_141 = arith.index_cast %scan3A_47 : i32 to index
        %get3A_142 = arith.constant 224 : index
        %get3A_143 = tpu.vector_load %arg11[%get3A_141, %get3A_142] {strides = array<i32>} : memref<80x256xf32, #tpu.memory_space<vmem>>, vector<1x16xf32>,
        %get3A_144 = vector.shape_cast %get3A_143 : vector<1x16xf32> to vector<16xf32>
        %mul3A_145 = vector.broadcast %squeeze3A_57 : f32 to vector<16xf32>
        %mul3A_146 = arith.mulf %mul3A_145, %get3A_144 : vector<16xf32>
        %add3A_147 = arith.addf %add3A_140, %mul3A_146 : vector<16xf32>
        %swap3A_148 = arith.index_cast %scan3A_47 : i32 to index
        %swap3A_149 = arith.constant 32 : index
        %swap3A_150 = tpu.vector_load %arg12[%swap3A_148, %swap3A_149] {strides = array<i32>} : memref<80x64xf32, #tpu.memory_space<vmem>>, vector<1x16xf32>,
        %swap3A_151 = vector.shape_cast %swap3A_150 : vector<1x16xf32> to vector<16xf32>
        %swap3A_152 = vector.shape_cast %add3A_147 : vector<16xf32> to vector<1x16xf32>
        tpu.vector_store %arg12[%swap3A_148, %swap3A_149], %swap3A_152 {strides = array<i32>} : memref<80x64xf32, #tpu.memory_space<vmem>>, vector<1x16xf32>,
        %get3A_153 = arith.index_cast %scan3A_47 : i32 to index
        %get3A_154 = arith.constant 48 : index
        %get3A_155 = tpu.vector_load %arg11[%get3A_153, %get3A_154] {strides = array<i32>} : memref<80x256xf32, #tpu.memory_space<vmem>>, vector<1x16xf32>,
        %get3A_156 = vector.shape_cast %get3A_155 : vector<1x16xf32> to vector<16xf32>
        %mul3A_157 = vector.broadcast %squeeze3A : f32 to vector<16xf32>
        %mul3A_158 = arith.mulf %mul3A_157, %get3A_156 : vector<16xf32>
        %get3A_159 = arith.index_cast %scan3A_47 : i32 to index
        %get3A_160 = arith.constant 112 : index
        %get3A_161 = tpu.vector_load %arg11[%get3A_159, %get3A_160] {strides = array<i32>} : memref<80x256xf32, #tpu.memory_space<vmem>>, vector<1x16xf32>,
        %get3A_162 = vector.shape_cast %get3A_161 : vector<1x16xf32> to vector<16xf32>
        %mul3A_163 = vector.broadcast %squeeze3A_53 : f32 to vector<16xf32>
        %mul3A_164 = arith.mulf %mul3A_163, %get3A_162 : vector<16xf32>
        %add3A_165 = arith.addf %mul3A_158, %mul3A_164 : vector<16xf32>
        %get3A_166 = arith.index_cast %scan3A_47 : i32 to index
        %get3A_167 = arith.constant 176 : index
        %get3A_168 = tpu.vector_load %arg11[%get3A_166, %get3A_167] {strides = array<i32>} : memref<80x256xf32, #tpu.memory_space<vmem>>, vector<1x16xf32>,
        %get3A_169 = vector.shape_cast %get3A_168 : vector<1x16xf32> to vector<16xf32>
        %mul3A_170 = vector.broadcast %squeeze3A_55 : f32 to vector<16xf32>
        %mul3A_171 = arith.mulf %mul3A_170, %get3A_169 : vector<16xf32>
        %add3A_172 = arith.addf %add3A_165, %mul3A_171 : vector<16xf32>
        %get3A_173 = arith.index_cast %scan3A_47 : i32 to index
        %get3A_174 = arith.constant 240 : index
        %get3A_175 = tpu.vector_load %arg11[%get3A_173, %get3A_174] {strides = array<i32>} : memref<80x256xf32, #tpu.memory_space<vmem>>, vector<1x16xf32>,
        %get3A_176 = vector.shape_cast %get3A_175 : vector<1x16xf32> to vector<16xf32>
        %mul3A_177 = vector.broadcast %squeeze3A_57 : f32 to vector<16xf32>
        %mul3A_178 = arith.mulf %mul3A_177, %get3A_176 : vector<16xf32>
        %add3A_179 = arith.addf %add3A_172, %mul3A_178 : vector<16xf32>
        %swap3A_180 = arith.index_cast %scan3A_47 : i32 to index
        %swap3A_181 = arith.constant 48 : index
        %swap3A_182 = tpu.vector_load %arg12[%swap3A_180, %swap3A_181] {strides = array<i32>} : memref<80x64xf32, #tpu.memory_space<vmem>>, vector<1x16xf32>,
        %swap3A_183 = vector.shape_cast %swap3A_182 : vector<1x16xf32> to vector<16xf32>
        %swap3A_184 = vector.shape_cast %add3A_179 : vector<16xf32> to vector<1x16xf32>
        tpu.vector_store %arg12[%swap3A_180, %swap3A_181], %swap3A_184 {strides = array<i32>} : memref<80x64xf32, #tpu.memory_space<vmem>>, vector<1x16xf32>,
      }
      %scan3A_46 = arith.constant 80 : i32
      "tpu.region"() ({
        %run_scoped3A = tpu.sem_alloc : memref<!tpu.dma_semaphore, #tpu.memory_space<semaphore_mem>>
        %dma_start3A_47 = arith.constant 0 : i32
        %dma_start3A_48 = arith.constant 0 : i32
        %dma_start3A_49 = tpu.memref_slice %arg13[%dma_start3A_47, %dma_start3A_48] : memref<10240x64xf32, #tpu.memory_space<vmem_shared>> -> memref<10240x64xf32, #tpu.memory_space<vmem_shared>>
        tpu.enqueue_indirect_dma source(%arg12 : memref<80x64xf32, #tpu.memory_space<vmem>>) target(%dma_start3A_49 : memref<10240x64xf32, #tpu.memory_space<vmem_shared>>) offsets(%arg9 : memref<80xi32, #tpu.memory_space<vmem>>) semaphore(%run_scoped3A : memref<!tpu.dma_semaphore, #tpu.memory_space<semaphore_mem>>) {add = true}
        %dma_wait3A_50 = arith.constant 0 : i32
        %dma_wait3A_51 = arith.constant 0 : i32
        %dma_wait3A_52 = tpu.memref_slice %arg13[%dma_wait3A_50, %dma_wait3A_51] : memref<10240x64xf32, #tpu.memory_space<vmem_shared>> -> memref<10240x64xf32, #tpu.memory_space<vmem_shared>>
        tpu.wait_indirect_dma semaphore(%run_scoped3A : memref<!tpu.dma_semaphore, #tpu.memory_space<semaphore_mem>>) src(%arg12 : memref<80x64xf32, #tpu.memory_space<vmem>>) dst(%dma_wait3A_52 : memref<10240x64xf32, #tpu.memory_space<vmem_shared>>)
        tpu.yield
      }) : () -> ()
    }
    %scan3A_9 = arith.constant 125 : i32
    %barrier3A_10 = arith.constant 0 : index
    tpu.barrier barrier_id(%barrier3A_10)
    "tpu.region"() ({
      %run_scoped3A = tpu.sem_alloc : memref<!tpu.dma_semaphore, #tpu.memory_space<semaphore_mem>>
      %dma_start3A = arith.constant 0 : i32
      %dma_start3A_11 = tpu.memref_slice %arg7[%arg0, %mul3A_2, %dma_start3A] : memref<2x10240x64xf32, #tpu.memory_space<hbm>> -> memref<1x640x64xf32, #tpu.memory_space<hbm>>
      %dma_start3A_12 = tpu.memref_squeeze %dma_start3A_11 : memref<1x640x64xf32, #tpu.memory_space<hbm>> -> memref<640x64xf32, #tpu.memory_space<hbm>>
      %dma_start3A_13 = arith.constant 0 : i32
      %dma_start3A_14 = tpu.memref_slice %arg13[%mul3A_2, %dma_start3A_13] : memref<10240x64xf32, #tpu.memory_space<vmem_shared>> -> memref<640x64xf32, #tpu.memory_space<vmem_shared>>
      tpu.enqueue_dma source(%dma_start3A_14 : memref<640x64xf32, #tpu.memory_space<vmem_shared>>) target(%dma_start3A_12 : memref<640x64xf32, #tpu.memory_space<hbm>>) target_semaphore(%run_scoped3A : memref<!tpu.dma_semaphore, #tpu.memory_space<semaphore_mem>>)
      %dma_wait3A = arith.constant 0 : i32
      %dma_wait3A_15 = tpu.memref_slice %arg7[%arg0, %mul3A_2, %dma_wait3A] : memref<2x10240x64xf32, #tpu.memory_space<hbm>> -> memref<1x640x64xf32, #tpu.memory_space<hbm>>
      %dma_wait3A_16 = tpu.memref_squeeze %dma_wait3A_15 : memref<1x640x64xf32, #tpu.memory_space<hbm>> -> memref<640x64xf32, #tpu.memory_space<hbm>>
      %dma_wait3A_17 = arith.constant 0 : i32
      %dma_wait3A_18 = tpu.memref_slice %arg13[%mul3A_2, %dma_wait3A_17] : memref<10240x64xf32, #tpu.memory_space<vmem_shared>> -> memref<640x64xf32, #tpu.memory_space<vmem_shared>>
      tpu.wait_dma2 semaphore(%run_scoped3A : memref<!tpu.dma_semaphore, #tpu.memory_space<semaphore_mem>>) src(%dma_wait3A_18 : memref<640x64xf32, #tpu.memory_space<vmem_shared>>) dst(%dma_wait3A_16 : memref<640x64xf32, #tpu.memory_space<hbm>>)
      tpu.yield
    }) : () -> ()
    return
  }
}

#map = affine_map<(d0, d1) -> (0, 0)>
#map1 = affine_map<(d0, d1) -> (0)>
#map2 = affine_map<(d0, d1) -> (0, 0, 0)>
module attributes {stable_mosaic.version = 14 : i64} {
  func.func @_sc_edge_body(%arg0: i32, %arg1: i32, %arg2: memref<10000x256xf32, #tpu.memory_space<hbm>>, %arg3: memref<320000xi32, #tpu.memory_space<hbm>>, %arg4: memref<320000xi32, #tpu.memory_space<hbm>>, %arg5: memref<1280000xf32, #tpu.memory_space<hbm>>, %arg6: memref<10240x64xf32, #tpu.memory_space<hbm>>, %arg7: memref<2x10240x64xf32, #tpu.memory_space<hbm>>, %arg8: memref<80xi32, #tpu.memory_space<vmem>>, %arg9: memref<80xi32, #tpu.memory_space<vmem>>, %arg10: memref<336xf32, #tpu.memory_space<vmem>>, %arg11: memref<80x256xf32, #tpu.memory_space<vmem>>, %arg12: memref<80x64xf32, #tpu.memory_space<vmem>>, %arg13: memref<10240x64xf32, #tpu.memory_space<vmem_shared>>, %arg14: memref<!tpu.dma_semaphore, #tpu.memory_space<semaphore_mem>>) attributes {dimension_semantics = [#tpu.dimension_semantics<core_parallel>, #tpu.dimension_semantics<subcore_parallel>], iteration_bounds = array<i64: 2, 16>, scalar_prefetch = 0 : i64, scratch_operands = 7 : i64, tpu.core_type = #tpu.core_type<sc_vector_subcore>, window_params = [{transform_indices = #map}, {transform_indices = #map1}, {transform_indices = #map1}, {transform_indices = #map1}, {transform_indices = #map}, {transform_indices = #map2}]} {
    %mul3A = arith.constant 2 : i32
    %mul3A_0 = arith.muli %arg1, %mul3A : i32
    %add3A = arith.addi %mul3A_0, %arg0 : i32
    %mul3A_1 = arith.constant 640 : i32
    %mul3A_2 = arith.muli %arg1, %mul3A_1 : i32
    "tpu.region"() ({
      %run_scoped3A = tpu.sem_alloc : memref<!tpu.dma_semaphore, #tpu.memory_space<semaphore_mem>>
      %dma_start3A = arith.constant 0 : i32
      %dma_start3A_11 = tpu.memref_slice %arg13[%mul3A_2, %dma_start3A] : memref<10240x64xf32, #tpu.memory_space<vmem_shared>> -> memref<640x64xf32, #tpu.memory_space<vmem_shared>>
      %dma_start3A_12 = arith.constant 0 : i32
      %dma_start3A_13 = tpu.memref_slice %arg6[%mul3A_2, %dma_start3A_12] : memref<10240x64xf32, #tpu.memory_space<hbm>> -> memref<640x64xf32, #tpu.memory_space<hbm>>
      tpu.enqueue_dma source(%dma_start3A_13 : memref<640x64xf32, #tpu.memory_space<hbm>>) target(%dma_start3A_11 : memref<640x64xf32, #tpu.memory_space<vmem_shared>>) target_semaphore(%run_scoped3A : memref<!tpu.dma_semaphore, #tpu.memory_space<semaphore_mem>>)
      %dma_wait3A = arith.constant 0 : i32
      %dma_wait3A_14 = tpu.memref_slice %arg13[%mul3A_2, %dma_wait3A] : memref<10240x64xf32, #tpu.memory_space<vmem_shared>> -> memref<640x64xf32, #tpu.memory_space<vmem_shared>>
      %dma_wait3A_15 = arith.constant 0 : i32
      %dma_wait3A_16 = tpu.memref_slice %arg6[%mul3A_2, %dma_wait3A_15] : memref<10240x64xf32, #tpu.memory_space<hbm>> -> memref<640x64xf32, #tpu.memory_space<hbm>>
      tpu.wait_dma2 semaphore(%run_scoped3A : memref<!tpu.dma_semaphore, #tpu.memory_space<semaphore_mem>>) src(%dma_wait3A_16 : memref<640x64xf32, #tpu.memory_space<hbm>>) dst(%dma_wait3A_14 : memref<640x64xf32, #tpu.memory_space<vmem_shared>>)
      tpu.yield
    }) : () -> ()
    %barrier3A = arith.constant 0 : index
    tpu.barrier barrier_id(%barrier3A)
    %mul3A_3 = arith.constant 10000 : i32
    %mul3A_4 = arith.muli %add3A, %mul3A_3 : i32
    %scan3A = arith.constant 0 : i32
    %scan3A_5 = arith.constant 0 : i32
    %scan3A_6 = arith.constant 125 : i32
    %scan3A_7 = arith.addi %scan3A_5, %scan3A_6 : i32
    %scan3A_8 = arith.constant 1 : i32
    scf.for %scan3A_11 = %scan3A_5 to %scan3A_7 step %scan3A_8  : i32 {
      %mul3A_12 = arith.constant 80 : i32
      %mul3A_13 = arith.muli %scan3A_11, %mul3A_12 : i32
      %add3A_14 = arith.addi %mul3A_4, %mul3A_13 : i32
      %dma_start3A = tpu.memref_slice %arg3[%add3A_14] : memref<320000xi32, #tpu.memory_space<hbm>> -> memref<80xi32, #tpu.memory_space<hbm>>
      %dma_start3A_15 = tpu.memref_slice %arg3[%add3A_14] : memref<320000xi32, #tpu.memory_space<hbm>> -> memref<80xi32, #tpu.memory_space<hbm>>
      tpu.enqueue_dma source(%dma_start3A_15 : memref<80xi32, #tpu.memory_space<hbm>>) target(%arg8 : memref<80xi32, #tpu.memory_space<vmem>>) target_semaphore(%arg14 : memref<!tpu.dma_semaphore, #tpu.memory_space<semaphore_mem>>)
      %dma_start3A_16 = tpu.memref_slice %arg4[%add3A_14] : memref<320000xi32, #tpu.memory_space<hbm>> -> memref<80xi32, #tpu.memory_space<hbm>>
      %dma_start3A_17 = tpu.memref_slice %arg4[%add3A_14] : memref<320000xi32, #tpu.memory_space<hbm>> -> memref<80xi32, #tpu.memory_space<hbm>>
      tpu.enqueue_dma source(%dma_start3A_17 : memref<80xi32, #tpu.memory_space<hbm>>) target(%arg9 : memref<80xi32, #tpu.memory_space<vmem>>) target_semaphore(%arg14 : memref<!tpu.dma_semaphore, #tpu.memory_space<semaphore_mem>>)
      %mul3A_18 = arith.constant 4 : i32
      %mul3A_19 = arith.muli %add3A_14, %mul3A_18 : i32
      %dma_start3A_20 = arith.constant 0 : i32
      %dma_start3A_21 = tpu.memref_slice %arg10[%dma_start3A_20] : memref<336xf32, #tpu.memory_space<vmem>> -> memref<320xf32, #tpu.memory_space<vmem>>
      %dma_start3A_22 = tpu.memref_slice %arg5[%mul3A_19] : memref<1280000xf32, #tpu.memory_space<hbm>> -> memref<320xf32, #tpu.memory_space<hbm>>
      %dma_start3A_23 = arith.constant 0 : i32
      %dma_start3A_24 = tpu.memref_slice %arg10[%dma_start3A_23] : memref<336xf32, #tpu.memory_space<vmem>> -> memref<320xf32, #tpu.memory_space<vmem>>
      %dma_start3A_25 = tpu.memref_slice %arg5[%mul3A_19] : memref<1280000xf32, #tpu.memory_space<hbm>> -> memref<320xf32, #tpu.memory_space<hbm>>
      tpu.enqueue_dma source(%dma_start3A_25 : memref<320xf32, #tpu.memory_space<hbm>>) target(%dma_start3A_24 : memref<320xf32, #tpu.memory_space<vmem>>) target_semaphore(%arg14 : memref<!tpu.dma_semaphore, #tpu.memory_space<semaphore_mem>>)
      %dma_wait3A = tpu.memref_slice %arg3[%add3A_14] : memref<320000xi32, #tpu.memory_space<hbm>> -> memref<80xi32, #tpu.memory_space<hbm>>
      %dma_wait3A_26 = tpu.memref_slice %arg3[%add3A_14] : memref<320000xi32, #tpu.memory_space<hbm>> -> memref<80xi32, #tpu.memory_space<hbm>>
      tpu.wait_dma2 semaphore(%arg14 : memref<!tpu.dma_semaphore, #tpu.memory_space<semaphore_mem>>) src(%dma_wait3A_26 : memref<80xi32, #tpu.memory_space<hbm>>) dst(%arg8 : memref<80xi32, #tpu.memory_space<vmem>>)
      %dma_wait3A_27 = tpu.memref_slice %arg4[%add3A_14] : memref<320000xi32, #tpu.memory_space<hbm>> -> memref<80xi32, #tpu.memory_space<hbm>>
      %dma_wait3A_28 = tpu.memref_slice %arg4[%add3A_14] : memref<320000xi32, #tpu.memory_space<hbm>> -> memref<80xi32, #tpu.memory_space<hbm>>
      tpu.wait_dma2 semaphore(%arg14 : memref<!tpu.dma_semaphore, #tpu.memory_space<semaphore_mem>>) src(%dma_wait3A_28 : memref<80xi32, #tpu.memory_space<hbm>>) dst(%arg9 : memref<80xi32, #tpu.memory_space<vmem>>)
      %dma_wait3A_29 = arith.constant 0 : i32
      %dma_wait3A_30 = tpu.memref_slice %arg10[%dma_wait3A_29] : memref<336xf32, #tpu.memory_space<vmem>> -> memref<320xf32, #tpu.memory_space<vmem>>
      %dma_wait3A_31 = tpu.memref_slice %arg5[%mul3A_19] : memref<1280000xf32, #tpu.memory_space<hbm>> -> memref<320xf32, #tpu.memory_space<hbm>>
      %dma_wait3A_32 = arith.constant 0 : i32
      %dma_wait3A_33 = tpu.memref_slice %arg10[%dma_wait3A_32] : memref<336xf32, #tpu.memory_space<vmem>> -> memref<320xf32, #tpu.memory_space<vmem>>
      %dma_wait3A_34 = tpu.memref_slice %arg5[%mul3A_19] : memref<1280000xf32, #tpu.memory_space<hbm>> -> memref<320xf32, #tpu.memory_space<hbm>>
      tpu.wait_dma2 semaphore(%arg14 : memref<!tpu.dma_semaphore, #tpu.memory_space<semaphore_mem>>) src(%dma_wait3A_34 : memref<320xf32, #tpu.memory_space<hbm>>) dst(%dma_wait3A_33 : memref<320xf32, #tpu.memory_space<vmem>>)
      %dma_start3A_35 = arith.constant 0 : i32
      %dma_start3A_36 = arith.constant 0 : i32
      %dma_start3A_37 = tpu.memref_slice %arg2[%dma_start3A_35, %dma_start3A_36] : memref<10000x256xf32, #tpu.memory_space<hbm>> -> memref<10000x256xf32, #tpu.memory_space<hbm>>
      tpu.enqueue_indirect_dma source(%dma_start3A_37 : memref<10000x256xf32, #tpu.memory_space<hbm>>) target(%arg11 : memref<80x256xf32, #tpu.memory_space<vmem>>) offsets(%arg8 : memref<80xi32, #tpu.memory_space<vmem>>) semaphore(%arg14 : memref<!tpu.dma_semaphore, #tpu.memory_space<semaphore_mem>>)
      %dma_wait3A_38 = arith.constant 0 : i32
      %dma_wait3A_39 = arith.constant 0 : i32
      %dma_wait3A_40 = tpu.memref_slice %arg2[%dma_wait3A_38, %dma_wait3A_39] : memref<10000x256xf32, #tpu.memory_space<hbm>> -> memref<10000x256xf32, #tpu.memory_space<hbm>>
      tpu.wait_indirect_dma semaphore(%arg14 : memref<!tpu.dma_semaphore, #tpu.memory_space<semaphore_mem>>) src(%dma_wait3A_40 : memref<10000x256xf32, #tpu.memory_space<hbm>>) dst(%arg11 : memref<80x256xf32, #tpu.memory_space<vmem>>)
      %scan3A_41 = arith.constant 0 : i32
      %scan3A_42 = arith.constant 0 : i32
      %scan3A_43 = arith.constant 80 : i32
      %scan3A_44 = arith.addi %scan3A_42, %scan3A_43 : i32
      %scan3A_45 = arith.constant 1 : i32
      scf.for %scan3A_47 = %scan3A_42 to %scan3A_44 step %scan3A_45  : i32 {
        %mul3A_48 = arith.constant 4 : i32
        %mul3A_49 = arith.muli %scan3A_47, %mul3A_48 : i32
        %get3A = arith.index_cast %mul3A_49 : i32 to index
        %get3A_50 = tpu.vector_load %arg10[%get3A] {strides = array<i32>} : memref<336xf32, #tpu.memory_space<vmem>>, vector<16xf32>,
        %get3A_51 = vector.shape_cast %get3A_50 : vector<16xf32> to vector<16xf32>
        %slice3A = vector.extract_strided_slice %get3A_51 {offsets = [0], sizes = [1], strides = [1]} : vector<16xf32> to vector<1xf32>
        %squeeze3A = vector.extract %slice3A[0] : f32 from vector<1xf32>
        %slice3A_52 = vector.extract_strided_slice %get3A_51 {offsets = [1], sizes = [1], strides = [1]} : vector<16xf32> to vector<1xf32>
        %squeeze3A_53 = vector.extract %slice3A_52[0] : f32 from vector<1xf32>
        %slice3A_54 = vector.extract_strided_slice %get3A_51 {offsets = [2], sizes = [1], strides = [1]} : vector<16xf32> to vector<1xf32>
        %squeeze3A_55 = vector.extract %slice3A_54[0] : f32 from vector<1xf32>
        %slice3A_56 = vector.extract_strided_slice %get3A_51 {offsets = [3], sizes = [1], strides = [1]} : vector<16xf32> to vector<1xf32>
        %squeeze3A_57 = vector.extract %slice3A_56[0] : f32 from vector<1xf32>
        %get3A_58 = arith.index_cast %scan3A_47 : i32 to index
        %get3A_59 = arith.constant 0 : index
        %get3A_60 = tpu.vector_load %arg11[%get3A_58, %get3A_59] {strides = array<i32>} : memref<80x256xf32, #tpu.memory_space<vmem>>, vector<1x16xf32>,
        %get3A_61 = vector.shape_cast %get3A_60 : vector<1x16xf32> to vector<16xf32>
        %mul3A_62 = vector.broadcast %squeeze3A : f32 to vector<16xf32>
        %mul3A_63 = arith.mulf %mul3A_62, %get3A_61 : vector<16xf32>
        %get3A_64 = arith.index_cast %scan3A_47 : i32 to index
        %get3A_65 = arith.constant 64 : index
        %get3A_66 = tpu.vector_load %arg11[%get3A_64, %get3A_65] {strides = array<i32>} : memref<80x256xf32, #tpu.memory_space<vmem>>, vector<1x16xf32>,
        %get3A_67 = vector.shape_cast %get3A_66 : vector<1x16xf32> to vector<16xf32>
        %mul3A_68 = vector.broadcast %squeeze3A_53 : f32 to vector<16xf32>
        %mul3A_69 = arith.mulf %mul3A_68, %get3A_67 : vector<16xf32>
        %add3A_70 = arith.addf %mul3A_63, %mul3A_69 : vector<16xf32>
        %get3A_71 = arith.index_cast %scan3A_47 : i32 to index
        %get3A_72 = arith.constant 128 : index
        %get3A_73 = tpu.vector_load %arg11[%get3A_71, %get3A_72] {strides = array<i32>} : memref<80x256xf32, #tpu.memory_space<vmem>>, vector<1x16xf32>,
        %get3A_74 = vector.shape_cast %get3A_73 : vector<1x16xf32> to vector<16xf32>
        %mul3A_75 = vector.broadcast %squeeze3A_55 : f32 to vector<16xf32>
        %mul3A_76 = arith.mulf %mul3A_75, %get3A_74 : vector<16xf32>
        %add3A_77 = arith.addf %add3A_70, %mul3A_76 : vector<16xf32>
        %get3A_78 = arith.index_cast %scan3A_47 : i32 to index
        %get3A_79 = arith.constant 192 : index
        %get3A_80 = tpu.vector_load %arg11[%get3A_78, %get3A_79] {strides = array<i32>} : memref<80x256xf32, #tpu.memory_space<vmem>>, vector<1x16xf32>,
        %get3A_81 = vector.shape_cast %get3A_80 : vector<1x16xf32> to vector<16xf32>
        %mul3A_82 = vector.broadcast %squeeze3A_57 : f32 to vector<16xf32>
        %mul3A_83 = arith.mulf %mul3A_82, %get3A_81 : vector<16xf32>
        %add3A_84 = arith.addf %add3A_77, %mul3A_83 : vector<16xf32>
        %swap3A = arith.index_cast %scan3A_47 : i32 to index
        %swap3A_85 = arith.constant 0 : index
        %swap3A_86 = tpu.vector_load %arg12[%swap3A, %swap3A_85] {strides = array<i32>} : memref<80x64xf32, #tpu.memory_space<vmem>>, vector<1x16xf32>,
        %swap3A_87 = vector.shape_cast %swap3A_86 : vector<1x16xf32> to vector<16xf32>
        %swap3A_88 = vector.shape_cast %add3A_84 : vector<16xf32> to vector<1x16xf32>
        tpu.vector_store %arg12[%swap3A, %swap3A_85], %swap3A_88 {strides = array<i32>} : memref<80x64xf32, #tpu.memory_space<vmem>>, vector<1x16xf32>,
        %get3A_89 = arith.index_cast %scan3A_47 : i32 to index
        %get3A_90 = arith.constant 16 : index
        %get3A_91 = tpu.vector_load %arg11[%get3A_89, %get3A_90] {strides = array<i32>} : memref<80x256xf32, #tpu.memory_space<vmem>>, vector<1x16xf32>,
        %get3A_92 = vector.shape_cast %get3A_91 : vector<1x16xf32> to vector<16xf32>
        %mul3A_93 = vector.broadcast %squeeze3A : f32 to vector<16xf32>
        %mul3A_94 = arith.mulf %mul3A_93, %get3A_92 : vector<16xf32>
        %get3A_95 = arith.index_cast %scan3A_47 : i32 to index
        %get3A_96 = arith.constant 80 : index
        %get3A_97 = tpu.vector_load %arg11[%get3A_95, %get3A_96] {strides = array<i32>} : memref<80x256xf32, #tpu.memory_space<vmem>>, vector<1x16xf32>,
        %get3A_98 = vector.shape_cast %get3A_97 : vector<1x16xf32> to vector<16xf32>
        %mul3A_99 = vector.broadcast %squeeze3A_53 : f32 to vector<16xf32>
        %mul3A_100 = arith.mulf %mul3A_99, %get3A_98 : vector<16xf32>
        %add3A_101 = arith.addf %mul3A_94, %mul3A_100 : vector<16xf32>
        %get3A_102 = arith.index_cast %scan3A_47 : i32 to index
        %get3A_103 = arith.constant 144 : index
        %get3A_104 = tpu.vector_load %arg11[%get3A_102, %get3A_103] {strides = array<i32>} : memref<80x256xf32, #tpu.memory_space<vmem>>, vector<1x16xf32>,
        %get3A_105 = vector.shape_cast %get3A_104 : vector<1x16xf32> to vector<16xf32>
        %mul3A_106 = vector.broadcast %squeeze3A_55 : f32 to vector<16xf32>
        %mul3A_107 = arith.mulf %mul3A_106, %get3A_105 : vector<16xf32>
        %add3A_108 = arith.addf %add3A_101, %mul3A_107 : vector<16xf32>
        %get3A_109 = arith.index_cast %scan3A_47 : i32 to index
        %get3A_110 = arith.constant 208 : index
        %get3A_111 = tpu.vector_load %arg11[%get3A_109, %get3A_110] {strides = array<i32>} : memref<80x256xf32, #tpu.memory_space<vmem>>, vector<1x16xf32>,
        %get3A_112 = vector.shape_cast %get3A_111 : vector<1x16xf32> to vector<16xf32>
        %mul3A_113 = vector.broadcast %squeeze3A_57 : f32 to vector<16xf32>
        %mul3A_114 = arith.mulf %mul3A_113, %get3A_112 : vector<16xf32>
        %add3A_115 = arith.addf %add3A_108, %mul3A_114 : vector<16xf32>
        %swap3A_116 = arith.index_cast %scan3A_47 : i32 to index
        %swap3A_117 = arith.constant 16 : index
        %swap3A_118 = tpu.vector_load %arg12[%swap3A_116, %swap3A_117] {strides = array<i32>} : memref<80x64xf32, #tpu.memory_space<vmem>>, vector<1x16xf32>,
        %swap3A_119 = vector.shape_cast %swap3A_118 : vector<1x16xf32> to vector<16xf32>
        %swap3A_120 = vector.shape_cast %add3A_115 : vector<16xf32> to vector<1x16xf32>
        tpu.vector_store %arg12[%swap3A_116, %swap3A_117], %swap3A_120 {strides = array<i32>} : memref<80x64xf32, #tpu.memory_space<vmem>>, vector<1x16xf32>,
        %get3A_121 = arith.index_cast %scan3A_47 : i32 to index
        %get3A_122 = arith.constant 32 : index
        %get3A_123 = tpu.vector_load %arg11[%get3A_121, %get3A_122] {strides = array<i32>} : memref<80x256xf32, #tpu.memory_space<vmem>>, vector<1x16xf32>,
        %get3A_124 = vector.shape_cast %get3A_123 : vector<1x16xf32> to vector<16xf32>
        %mul3A_125 = vector.broadcast %squeeze3A : f32 to vector<16xf32>
        %mul3A_126 = arith.mulf %mul3A_125, %get3A_124 : vector<16xf32>
        %get3A_127 = arith.index_cast %scan3A_47 : i32 to index
        %get3A_128 = arith.constant 96 : index
        %get3A_129 = tpu.vector_load %arg11[%get3A_127, %get3A_128] {strides = array<i32>} : memref<80x256xf32, #tpu.memory_space<vmem>>, vector<1x16xf32>,
        %get3A_130 = vector.shape_cast %get3A_129 : vector<1x16xf32> to vector<16xf32>
        %mul3A_131 = vector.broadcast %squeeze3A_53 : f32 to vector<16xf32>
        %mul3A_132 = arith.mulf %mul3A_131, %get3A_130 : vector<16xf32>
        %add3A_133 = arith.addf %mul3A_126, %mul3A_132 : vector<16xf32>
        %get3A_134 = arith.index_cast %scan3A_47 : i32 to index
        %get3A_135 = arith.constant 160 : index
        %get3A_136 = tpu.vector_load %arg11[%get3A_134, %get3A_135] {strides = array<i32>} : memref<80x256xf32, #tpu.memory_space<vmem>>, vector<1x16xf32>,
        %get3A_137 = vector.shape_cast %get3A_136 : vector<1x16xf32> to vector<16xf32>
        %mul3A_138 = vector.broadcast %squeeze3A_55 : f32 to vector<16xf32>
        %mul3A_139 = arith.mulf %mul3A_138, %get3A_137 : vector<16xf32>
        %add3A_140 = arith.addf %add3A_133, %mul3A_139 : vector<16xf32>
        %get3A_141 = arith.index_cast %scan3A_47 : i32 to index
        %get3A_142 = arith.constant 224 : index
        %get3A_143 = tpu.vector_load %arg11[%get3A_141, %get3A_142] {strides = array<i32>} : memref<80x256xf32, #tpu.memory_space<vmem>>, vector<1x16xf32>,
        %get3A_144 = vector.shape_cast %get3A_143 : vector<1x16xf32> to vector<16xf32>
        %mul3A_145 = vector.broadcast %squeeze3A_57 : f32 to vector<16xf32>
        %mul3A_146 = arith.mulf %mul3A_145, %get3A_144 : vector<16xf32>
        %add3A_147 = arith.addf %add3A_140, %mul3A_146 : vector<16xf32>
        %swap3A_148 = arith.index_cast %scan3A_47 : i32 to index
        %swap3A_149 = arith.constant 32 : index
        %swap3A_150 = tpu.vector_load %arg12[%swap3A_148, %swap3A_149] {strides = array<i32>} : memref<80x64xf32, #tpu.memory_space<vmem>>, vector<1x16xf32>,
        %swap3A_151 = vector.shape_cast %swap3A_150 : vector<1x16xf32> to vector<16xf32>
        %swap3A_152 = vector.shape_cast %add3A_147 : vector<16xf32> to vector<1x16xf32>
        tpu.vector_store %arg12[%swap3A_148, %swap3A_149], %swap3A_152 {strides = array<i32>} : memref<80x64xf32, #tpu.memory_space<vmem>>, vector<1x16xf32>,
        %get3A_153 = arith.index_cast %scan3A_47 : i32 to index
        %get3A_154 = arith.constant 48 : index
        %get3A_155 = tpu.vector_load %arg11[%get3A_153, %get3A_154] {strides = array<i32>} : memref<80x256xf32, #tpu.memory_space<vmem>>, vector<1x16xf32>,
        %get3A_156 = vector.shape_cast %get3A_155 : vector<1x16xf32> to vector<16xf32>
        %mul3A_157 = vector.broadcast %squeeze3A : f32 to vector<16xf32>
        %mul3A_158 = arith.mulf %mul3A_157, %get3A_156 : vector<16xf32>
        %get3A_159 = arith.index_cast %scan3A_47 : i32 to index
        %get3A_160 = arith.constant 112 : index
        %get3A_161 = tpu.vector_load %arg11[%get3A_159, %get3A_160] {strides = array<i32>} : memref<80x256xf32, #tpu.memory_space<vmem>>, vector<1x16xf32>,
        %get3A_162 = vector.shape_cast %get3A_161 : vector<1x16xf32> to vector<16xf32>
        %mul3A_163 = vector.broadcast %squeeze3A_53 : f32 to vector<16xf32>
        %mul3A_164 = arith.mulf %mul3A_163, %get3A_162 : vector<16xf32>
        %add3A_165 = arith.addf %mul3A_158, %mul3A_164 : vector<16xf32>
        %get3A_166 = arith.index_cast %scan3A_47 : i32 to index
        %get3A_167 = arith.constant 176 : index
        %get3A_168 = tpu.vector_load %arg11[%get3A_166, %get3A_167] {strides = array<i32>} : memref<80x256xf32, #tpu.memory_space<vmem>>, vector<1x16xf32>,
        %get3A_169 = vector.shape_cast %get3A_168 : vector<1x16xf32> to vector<16xf32>
        %mul3A_170 = vector.broadcast %squeeze3A_55 : f32 to vector<16xf32>
        %mul3A_171 = arith.mulf %mul3A_170, %get3A_169 : vector<16xf32>
        %add3A_172 = arith.addf %add3A_165, %mul3A_171 : vector<16xf32>
        %get3A_173 = arith.index_cast %scan3A_47 : i32 to index
        %get3A_174 = arith.constant 240 : index
        %get3A_175 = tpu.vector_load %arg11[%get3A_173, %get3A_174] {strides = array<i32>} : memref<80x256xf32, #tpu.memory_space<vmem>>, vector<1x16xf32>,
        %get3A_176 = vector.shape_cast %get3A_175 : vector<1x16xf32> to vector<16xf32>
        %mul3A_177 = vector.broadcast %squeeze3A_57 : f32 to vector<16xf32>
        %mul3A_178 = arith.mulf %mul3A_177, %get3A_176 : vector<16xf32>
        %add3A_179 = arith.addf %add3A_172, %mul3A_178 : vector<16xf32>
        %swap3A_180 = arith.index_cast %scan3A_47 : i32 to index
        %swap3A_181 = arith.constant 48 : index
        %swap3A_182 = tpu.vector_load %arg12[%swap3A_180, %swap3A_181] {strides = array<i32>} : memref<80x64xf32, #tpu.memory_space<vmem>>, vector<1x16xf32>,
        %swap3A_183 = vector.shape_cast %swap3A_182 : vector<1x16xf32> to vector<16xf32>
        %swap3A_184 = vector.shape_cast %add3A_179 : vector<16xf32> to vector<1x16xf32>
        tpu.vector_store %arg12[%swap3A_180, %swap3A_181], %swap3A_184 {strides = array<i32>} : memref<80x64xf32, #tpu.memory_space<vmem>>, vector<1x16xf32>,
      }
      %scan3A_46 = arith.constant 80 : i32
      "tpu.region"() ({
        %run_scoped3A = tpu.sem_alloc : memref<!tpu.dma_semaphore, #tpu.memory_space<semaphore_mem>>
        %dma_start3A_47 = arith.constant 0 : i32
        %dma_start3A_48 = arith.constant 0 : i32
        %dma_start3A_49 = tpu.memref_slice %arg13[%dma_start3A_47, %dma_start3A_48] : memref<10240x64xf32, #tpu.memory_space<vmem_shared>> -> memref<10240x64xf32, #tpu.memory_space<vmem_shared>>
        tpu.enqueue_indirect_dma source(%arg12 : memref<80x64xf32, #tpu.memory_space<vmem>>) target(%dma_start3A_49 : memref<10240x64xf32, #tpu.memory_space<vmem_shared>>) offsets(%arg9 : memref<80xi32, #tpu.memory_space<vmem>>) semaphore(%run_scoped3A : memref<!tpu.dma_semaphore, #tpu.memory_space<semaphore_mem>>) {add = true}
        %dma_wait3A_50 = arith.constant 0 : i32
        %dma_wait3A_51 = arith.constant 0 : i32
        %dma_wait3A_52 = tpu.memref_slice %arg13[%dma_wait3A_50, %dma_wait3A_51] : memref<10240x64xf32, #tpu.memory_space<vmem_shared>> -> memref<10240x64xf32, #tpu.memory_space<vmem_shared>>
        tpu.wait_indirect_dma semaphore(%run_scoped3A : memref<!tpu.dma_semaphore, #tpu.memory_space<semaphore_mem>>) src(%arg12 : memref<80x64xf32, #tpu.memory_space<vmem>>) dst(%dma_wait3A_52 : memref<10240x64xf32, #tpu.memory_space<vmem_shared>>)
        tpu.yield
      }) : () -> ()
    }
    %scan3A_9 = arith.constant 125 : i32
    %barrier3A_10 = arith.constant 0 : index
    tpu.barrier barrier_id(%barrier3A_10)
    "tpu.region"() ({
      %run_scoped3A = tpu.sem_alloc : memref<!tpu.dma_semaphore, #tpu.memory_space<semaphore_mem>>
      %dma_start3A = arith.constant 0 : i32
      %dma_start3A_11 = tpu.memref_slice %arg7[%arg0, %mul3A_2, %dma_start3A] : memref<2x10240x64xf32, #tpu.memory_space<hbm>> -> memref<1x640x64xf32, #tpu.memory_space<hbm>>
      %dma_start3A_12 = tpu.memref_squeeze %dma_start3A_11 : memref<1x640x64xf32, #tpu.memory_space<hbm>> -> memref<640x64xf32, #tpu.memory_space<hbm>>
      %dma_start3A_13 = arith.constant 0 : i32
      %dma_start3A_14 = tpu.memref_slice %arg13[%mul3A_2, %dma_start3A_13] : memref<10240x64xf32, #tpu.memory_space<vmem_shared>> -> memref<640x64xf32, #tpu.memory_space<vmem_shared>>
      tpu.enqueue_dma source(%dma_start3A_14 : memref<640x64xf32, #tpu.memory_space<vmem_shared>>) target(%dma_start3A_12 : memref<640x64xf32, #tpu.memory_space<hbm>>) target_semaphore(%run_scoped3A : memref<!tpu.dma_semaphore, #tpu.memory_space<semaphore_mem>>)
      %dma_wait3A = arith.constant 0 : i32
      %dma_wait3A_15 = tpu.memref_slice %arg7[%arg0, %mul3A_2, %dma_wait3A] : memref<2x10240x64xf32, #tpu.memory_space<hbm>> -> memref<1x640x64xf32, #tpu.memory_space<hbm>>
      %dma_wait3A_16 = tpu.memref_squeeze %dma_wait3A_15 : memref<1x640x64xf32, #tpu.memory_space<hbm>> -> memref<640x64xf32, #tpu.memory_space<hbm>>
      %dma_wait3A_17 = arith.constant 0 : i32
      %dma_wait3A_18 = tpu.memref_slice %arg13[%mul3A_2, %dma_wait3A_17] : memref<10240x64xf32, #tpu.memory_space<vmem_shared>> -> memref<640x64xf32, #tpu.memory_space<vmem_shared>>
      tpu.wait_dma2 semaphore(%run_scoped3A : memref<!tpu.dma_semaphore, #tpu.memory_space<semaphore_mem>>) src(%dma_wait3A_18 : memref<640x64xf32, #tpu.memory_space<vmem_shared>>) dst(%dma_wait3A_16 : memref<640x64xf32, #tpu.memory_space<hbm>>)
      tpu.yield
    }) : () -> ()
    return
  }
}

#map = affine_map<(d0, d1) -> (0, 0)>
#map1 = affine_map<(d0, d1) -> (0)>
module attributes {stable_mosaic.version = 14 : i64} {
  func.func @_sc_gather_body(%arg0: i32, %arg1: i32, %arg2: memref<10000x128xf32, #tpu.memory_space<hbm>>, %arg3: memref<1024xi32, #tpu.memory_space<hbm>>, %arg4: memref<1024xi32, #tpu.memory_space<hbm>>, %arg5: memref<1024x64xf32, #tpu.memory_space<hbm>>, %arg6: memref<32xi32, #tpu.memory_space<vmem>>, %arg7: memref<32xi32, #tpu.memory_space<vmem>>, %arg8: memref<32x128xf32, #tpu.memory_space<vmem>>, %arg9: memref<32x128xf32, #tpu.memory_space<vmem>>, %arg10: memref<32x64xf32, #tpu.memory_space<vmem>>, %arg11: memref<!tpu.dma_semaphore, #tpu.memory_space<semaphore_mem>>) attributes {dimension_semantics = [#tpu.dimension_semantics<core_parallel>, #tpu.dimension_semantics<subcore_parallel>], iteration_bounds = array<i64: 2, 16>, scalar_prefetch = 0 : i64, scratch_operands = 6 : i64, tpu.core_type = #tpu.core_type<sc_vector_subcore>, window_params = [{transform_indices = #map}, {transform_indices = #map1}, {transform_indices = #map1}, {transform_indices = #map}]} {
    %mul3A = arith.constant 2 : i32
    %mul3A_0 = arith.muli %arg1, %mul3A : i32
    %add3A = arith.addi %mul3A_0, %arg0 : i32
    %mul3A_1 = arith.constant 32 : i32
    %mul3A_2 = arith.muli %add3A, %mul3A_1 : i32
    %dma_start3A = tpu.memref_slice %arg3[%mul3A_2] : memref<1024xi32, #tpu.memory_space<hbm>> -> memref<32xi32, #tpu.memory_space<hbm>>
    %dma_start3A_3 = tpu.memref_slice %arg3[%mul3A_2] : memref<1024xi32, #tpu.memory_space<hbm>> -> memref<32xi32, #tpu.memory_space<hbm>>
    tpu.enqueue_dma source(%dma_start3A_3 : memref<32xi32, #tpu.memory_space<hbm>>) target(%arg6 : memref<32xi32, #tpu.memory_space<vmem>>) target_semaphore(%arg11 : memref<!tpu.dma_semaphore, #tpu.memory_space<semaphore_mem>>)
    %dma_start3A_4 = tpu.memref_slice %arg4[%mul3A_2] : memref<1024xi32, #tpu.memory_space<hbm>> -> memref<32xi32, #tpu.memory_space<hbm>>
    %dma_start3A_5 = tpu.memref_slice %arg4[%mul3A_2] : memref<1024xi32, #tpu.memory_space<hbm>> -> memref<32xi32, #tpu.memory_space<hbm>>
    tpu.enqueue_dma source(%dma_start3A_5 : memref<32xi32, #tpu.memory_space<hbm>>) target(%arg7 : memref<32xi32, #tpu.memory_space<vmem>>) target_semaphore(%arg11 : memref<!tpu.dma_semaphore, #tpu.memory_space<semaphore_mem>>)
    %dma_wait3A = tpu.memref_slice %arg3[%mul3A_2] : memref<1024xi32, #tpu.memory_space<hbm>> -> memref<32xi32, #tpu.memory_space<hbm>>
    %dma_wait3A_6 = tpu.memref_slice %arg3[%mul3A_2] : memref<1024xi32, #tpu.memory_space<hbm>> -> memref<32xi32, #tpu.memory_space<hbm>>
    tpu.wait_dma2 semaphore(%arg11 : memref<!tpu.dma_semaphore, #tpu.memory_space<semaphore_mem>>) src(%dma_wait3A_6 : memref<32xi32, #tpu.memory_space<hbm>>) dst(%arg6 : memref<32xi32, #tpu.memory_space<vmem>>)
    %dma_wait3A_7 = tpu.memref_slice %arg4[%mul3A_2] : memref<1024xi32, #tpu.memory_space<hbm>> -> memref<32xi32, #tpu.memory_space<hbm>>
    %dma_wait3A_8 = tpu.memref_slice %arg4[%mul3A_2] : memref<1024xi32, #tpu.memory_space<hbm>> -> memref<32xi32, #tpu.memory_space<hbm>>
    tpu.wait_dma2 semaphore(%arg11 : memref<!tpu.dma_semaphore, #tpu.memory_space<semaphore_mem>>) src(%dma_wait3A_8 : memref<32xi32, #tpu.memory_space<hbm>>) dst(%arg7 : memref<32xi32, #tpu.memory_space<vmem>>)
    %dma_start3A_9 = arith.constant 0 : i32
    %dma_start3A_10 = arith.constant 0 : i32
    %dma_start3A_11 = tpu.memref_slice %arg2[%dma_start3A_9, %dma_start3A_10] : memref<10000x128xf32, #tpu.memory_space<hbm>> -> memref<10000x128xf32, #tpu.memory_space<hbm>>
    tpu.enqueue_indirect_dma source(%dma_start3A_11 : memref<10000x128xf32, #tpu.memory_space<hbm>>) target(%arg8 : memref<32x128xf32, #tpu.memory_space<vmem>>) offsets(%arg6 : memref<32xi32, #tpu.memory_space<vmem>>) semaphore(%arg11 : memref<!tpu.dma_semaphore, #tpu.memory_space<semaphore_mem>>)
    %dma_wait3A_12 = arith.constant 0 : i32
    %dma_wait3A_13 = arith.constant 0 : i32
    %dma_wait3A_14 = tpu.memref_slice %arg2[%dma_wait3A_12, %dma_wait3A_13] : memref<10000x128xf32, #tpu.memory_space<hbm>> -> memref<10000x128xf32, #tpu.memory_space<hbm>>
    tpu.wait_indirect_dma semaphore(%arg11 : memref<!tpu.dma_semaphore, #tpu.memory_space<semaphore_mem>>) src(%dma_wait3A_14 : memref<10000x128xf32, #tpu.memory_space<hbm>>) dst(%arg8 : memref<32x128xf32, #tpu.memory_space<vmem>>)
    %dma_start3A_15 = arith.constant 0 : i32
    %dma_start3A_16 = arith.constant 0 : i32
    %dma_start3A_17 = tpu.memref_slice %arg2[%dma_start3A_15, %dma_start3A_16] : memref<10000x128xf32, #tpu.memory_space<hbm>> -> memref<10000x128xf32, #tpu.memory_space<hbm>>
    tpu.enqueue_indirect_dma source(%dma_start3A_17 : memref<10000x128xf32, #tpu.memory_space<hbm>>) target(%arg9 : memref<32x128xf32, #tpu.memory_space<vmem>>) offsets(%arg7 : memref<32xi32, #tpu.memory_space<vmem>>) semaphore(%arg11 : memref<!tpu.dma_semaphore, #tpu.memory_space<semaphore_mem>>)
    %dma_wait3A_18 = arith.constant 0 : i32
    %dma_wait3A_19 = arith.constant 0 : i32
    %dma_wait3A_20 = tpu.memref_slice %arg2[%dma_wait3A_18, %dma_wait3A_19] : memref<10000x128xf32, #tpu.memory_space<hbm>> -> memref<10000x128xf32, #tpu.memory_space<hbm>>
    tpu.wait_indirect_dma semaphore(%arg11 : memref<!tpu.dma_semaphore, #tpu.memory_space<semaphore_mem>>) src(%dma_wait3A_20 : memref<10000x128xf32, #tpu.memory_space<hbm>>) dst(%arg9 : memref<32x128xf32, #tpu.memory_space<vmem>>)
    %scan3A = arith.constant 0 : i32
    %scan3A_21 = arith.constant 0 : i32
    %scan3A_22 = arith.constant 32 : i32
    %scan3A_23 = arith.addi %scan3A_21, %scan3A_22 : i32
    %scan3A_24 = arith.constant 1 : i32
    scf.for %scan3A_26 = %scan3A_21 to %scan3A_23 step %scan3A_24  : i32 {
      %get3A = arith.index_cast %scan3A_26 : i32 to index
      %get3A_27 = arith.constant 0 : index
      %get3A_28 = tpu.vector_load %arg8[%get3A, %get3A_27] {strides = array<i32>} : memref<32x128xf32, #tpu.memory_space<vmem>>, vector<1x16xf32>,
      %get3A_29 = vector.shape_cast %get3A_28 : vector<1x16xf32> to vector<16xf32>
      %get3A_30 = arith.index_cast %scan3A_26 : i32 to index
      %get3A_31 = arith.constant 64 : index
      %get3A_32 = tpu.vector_load %arg9[%get3A_30, %get3A_31] {strides = array<i32>} : memref<32x128xf32, #tpu.memory_space<vmem>>, vector<1x16xf32>,
      %get3A_33 = vector.shape_cast %get3A_32 : vector<1x16xf32> to vector<16xf32>
      %add3A_34 = arith.addf %get3A_29, %get3A_33 : vector<16xf32>
      %swap3A = arith.index_cast %scan3A_26 : i32 to index
      %swap3A_35 = arith.constant 0 : index
      %swap3A_36 = tpu.vector_load %arg10[%swap3A, %swap3A_35] {strides = array<i32>} : memref<32x64xf32, #tpu.memory_space<vmem>>, vector<1x16xf32>,
      %swap3A_37 = vector.shape_cast %swap3A_36 : vector<1x16xf32> to vector<16xf32>
      %swap3A_38 = vector.shape_cast %add3A_34 : vector<16xf32> to vector<1x16xf32>
      tpu.vector_store %arg10[%swap3A, %swap3A_35], %swap3A_38 {strides = array<i32>} : memref<32x64xf32, #tpu.memory_space<vmem>>, vector<1x16xf32>,
      %get3A_39 = arith.index_cast %scan3A_26 : i32 to index
      %get3A_40 = arith.constant 16 : index
      %get3A_41 = tpu.vector_load %arg8[%get3A_39, %get3A_40] {strides = array<i32>} : memref<32x128xf32, #tpu.memory_space<vmem>>, vector<1x16xf32>,
      %get3A_42 = vector.shape_cast %get3A_41 : vector<1x16xf32> to vector<16xf32>
      %get3A_43 = arith.index_cast %scan3A_26 : i32 to index
      %get3A_44 = arith.constant 80 : index
      %get3A_45 = tpu.vector_load %arg9[%get3A_43, %get3A_44] {strides = array<i32>} : memref<32x128xf32, #tpu.memory_space<vmem>>, vector<1x16xf32>,
      %get3A_46 = vector.shape_cast %get3A_45 : vector<1x16xf32> to vector<16xf32>
      %add3A_47 = arith.addf %get3A_42, %get3A_46 : vector<16xf32>
      %swap3A_48 = arith.index_cast %scan3A_26 : i32 to index
      %swap3A_49 = arith.constant 16 : index
      %swap3A_50 = tpu.vector_load %arg10[%swap3A_48, %swap3A_49] {strides = array<i32>} : memref<32x64xf32, #tpu.memory_space<vmem>>, vector<1x16xf32>,
      %swap3A_51 = vector.shape_cast %swap3A_50 : vector<1x16xf32> to vector<16xf32>
      %swap3A_52 = vector.shape_cast %add3A_47 : vector<16xf32> to vector<1x16xf32>
      tpu.vector_store %arg10[%swap3A_48, %swap3A_49], %swap3A_52 {strides = array<i32>} : memref<32x64xf32, #tpu.memory_space<vmem>>, vector<1x16xf32>,
      %get3A_53 = arith.index_cast %scan3A_26 : i32 to index
      %get3A_54 = arith.constant 32 : index
      %get3A_55 = tpu.vector_load %arg8[%get3A_53, %get3A_54] {strides = array<i32>} : memref<32x128xf32, #tpu.memory_space<vmem>>, vector<1x16xf32>,
      %get3A_56 = vector.shape_cast %get3A_55 : vector<1x16xf32> to vector<16xf32>
      %get3A_57 = arith.index_cast %scan3A_26 : i32 to index
      %get3A_58 = arith.constant 96 : index
      %get3A_59 = tpu.vector_load %arg9[%get3A_57, %get3A_58] {strides = array<i32>} : memref<32x128xf32, #tpu.memory_space<vmem>>, vector<1x16xf32>,
      %get3A_60 = vector.shape_cast %get3A_59 : vector<1x16xf32> to vector<16xf32>
      %add3A_61 = arith.addf %get3A_56, %get3A_60 : vector<16xf32>
      %swap3A_62 = arith.index_cast %scan3A_26 : i32 to index
      %swap3A_63 = arith.constant 32 : index
      %swap3A_64 = tpu.vector_load %arg10[%swap3A_62, %swap3A_63] {strides = array<i32>} : memref<32x64xf32, #tpu.memory_space<vmem>>, vector<1x16xf32>,
      %swap3A_65 = vector.shape_cast %swap3A_64 : vector<1x16xf32> to vector<16xf32>
      %swap3A_66 = vector.shape_cast %add3A_61 : vector<16xf32> to vector<1x16xf32>
      tpu.vector_store %arg10[%swap3A_62, %swap3A_63], %swap3A_66 {strides = array<i32>} : memref<32x64xf32, #tpu.memory_space<vmem>>, vector<1x16xf32>,
      %get3A_67 = arith.index_cast %scan3A_26 : i32 to index
      %get3A_68 = arith.constant 48 : index
      %get3A_69 = tpu.vector_load %arg8[%get3A_67, %get3A_68] {strides = array<i32>} : memref<32x128xf32, #tpu.memory_space<vmem>>, vector<1x16xf32>,
      %get3A_70 = vector.shape_cast %get3A_69 : vector<1x16xf32> to vector<16xf32>
      %get3A_71 = arith.index_cast %scan3A_26 : i32 to index
      %get3A_72 = arith.constant 112 : index
      %get3A_73 = tpu.vector_load %arg9[%get3A_71, %get3A_72] {strides = array<i32>} : memref<32x128xf32, #tpu.memory_space<vmem>>, vector<1x16xf32>,
      %get3A_74 = vector.shape_cast %get3A_73 : vector<1x16xf32> to vector<16xf32>
      %add3A_75 = arith.addf %get3A_70, %get3A_74 : vector<16xf32>
      %swap3A_76 = arith.index_cast %scan3A_26 : i32 to index
      %swap3A_77 = arith.constant 48 : index
      %swap3A_78 = tpu.vector_load %arg10[%swap3A_76, %swap3A_77] {strides = array<i32>} : memref<32x64xf32, #tpu.memory_space<vmem>>, vector<1x16xf32>,
      %swap3A_79 = vector.shape_cast %swap3A_78 : vector<1x16xf32> to vector<16xf32>
      %swap3A_80 = vector.shape_cast %add3A_75 : vector<16xf32> to vector<1x16xf32>
      tpu.vector_store %arg10[%swap3A_76, %swap3A_77], %swap3A_80 {strides = array<i32>} : memref<32x64xf32, #tpu.memory_space<vmem>>, vector<1x16xf32>,
    }
    %scan3A_25 = arith.constant 32 : i32
    "tpu.region"() ({
      %run_scoped3A = tpu.sem_alloc : memref<!tpu.dma_semaphore, #tpu.memory_space<semaphore_mem>>
      %dma_start3A_26 = arith.constant 0 : i32
      %dma_start3A_27 = tpu.memref_slice %arg5[%mul3A_2, %dma_start3A_26] : memref<1024x64xf32, #tpu.memory_space<hbm>> -> memref<32x64xf32, #tpu.memory_space<hbm>>
      %dma_start3A_28 = arith.constant 0 : i32
      %dma_start3A_29 = tpu.memref_slice %arg5[%mul3A_2, %dma_start3A_28] : memref<1024x64xf32, #tpu.memory_space<hbm>> -> memref<32x64xf32, #tpu.memory_space<hbm>>
      tpu.enqueue_dma source(%arg10 : memref<32x64xf32, #tpu.memory_space<vmem>>) target(%dma_start3A_29 : memref<32x64xf32, #tpu.memory_space<hbm>>) target_semaphore(%run_scoped3A : memref<!tpu.dma_semaphore, #tpu.memory_space<semaphore_mem>>)
      %dma_wait3A_30 = arith.constant 0 : i32
      %dma_wait3A_31 = tpu.memref_slice %arg5[%mul3A_2, %dma_wait3A_30] : memref<1024x64xf32, #tpu.memory_space<hbm>> -> memref<32x64xf32, #tpu.memory_space<hbm>>
      %dma_wait3A_32 = arith.constant 0 : i32
      %dma_wait3A_33 = tpu.memref_slice %arg5[%mul3A_2, %dma_wait3A_32] : memref<1024x64xf32, #tpu.memory_space<hbm>> -> memref<32x64xf32, #tpu.memory_space<hbm>>
      tpu.wait_dma2 semaphore(%run_scoped3A : memref<!tpu.dma_semaphore, #tpu.memory_space<semaphore_mem>>) src(%arg10 : memref<32x64xf32, #tpu.memory_space<vmem>>) dst(%dma_wait3A_33 : memref<32x64xf32, #tpu.memory_space<hbm>>)
      tpu.yield
    }) : () -> ()
    return
  }
}

module attributes {stable_mosaic.version = 14 : i64} {
  func.func @_tc_stage_a(%arg0: i32, %arg1: memref<1000x128xf32, #tpu.memory_space<vmem>>, %arg2: memref<128x256xf32, #tpu.memory_space<vmem>>, %arg3: memref<1x256xf32, #tpu.memory_space<vmem>>, %arg4: memref<128x64xf32, #tpu.memory_space<vmem>>, %arg5: memref<1x64xf32, #tpu.memory_space<vmem>>, %arg6: memref<1000x256xf32, #tpu.memory_space<vmem>>, %arg7: memref<1000x64xf32, #tpu.memory_space<vmem>>) attributes {dimension_semantics = [#tpu.dimension_semantics<arbitrary>], iteration_bounds = array<i64: 10>, scalar_prefetch = 0 : i64, scratch_operands = 0 : i64, tpu.core_type = #tpu.core_type<tc>, window_params = [{transform_indices = @transform_0, window_bounds = array<i64: 1000, 128>}, {pipeline_mode = #tpu.pipeline_mode<synchronous>, transform_indices = @transform_1, window_bounds = array<i64: 128, 256>}, {pipeline_mode = #tpu.pipeline_mode<synchronous>, transform_indices = @transform_2, window_bounds = array<i64: 1, 256>}, {pipeline_mode = #tpu.pipeline_mode<synchronous>, transform_indices = @transform_3, window_bounds = array<i64: 128, 64>}, {pipeline_mode = #tpu.pipeline_mode<synchronous>, transform_indices = @transform_4, window_bounds = array<i64: 1, 64>}, {transform_indices = @transform_5, window_bounds = array<i64: 1000, 256>}, {transform_indices = @transform_6, window_bounds = array<i64: 1000, 64>}]} {
    %get3A = arith.constant 0 : index
    %get3A_0 = arith.constant 0 : index
    %get3A_1 = vector.load %arg1[%get3A, %get3A_0] : memref<1000x128xf32, #tpu.memory_space<vmem>>, vector<1000x128xf32>
    %get3A_2 = arith.constant 0 : index
    %get3A_3 = arith.constant 0 : index
    %get3A_4 = vector.load %arg2[%get3A_2, %get3A_3] : memref<128x256xf32, #tpu.memory_space<vmem>>, vector<128x256xf32>
    %dot_general3A = arith.constant dense<0.000000e+00> : vector<1000x256xf32>
    %dot_general3A_5 = tpu.matmul %get3A_1, %get3A_4, %dot_general3A {dimension_numbers = #tpu.dot_dimension_numbers<[1], [0], [0], [1], [0, 0, 1, 1], [], []>, transpose_lhs_hint = false} : vector<1000x128xf32>, vector<128x256xf32>, vector<1000x256xf32> -> vector<1000x256xf32>
    %get3A_6 = arith.constant 0 : index
    %get3A_7 = arith.constant 0 : index
    %get3A_8 = vector.load %arg3[%get3A_6, %get3A_7] : memref<1x256xf32, #tpu.memory_space<vmem>>, vector<1x256xf32>
    %add3A = vector.broadcast %get3A_8 : vector<1x256xf32> to vector<1000x256xf32>
    %add3A_9 = arith.addf %dot_general3A_5, %add3A : vector<1000x256xf32>
    %swap3A = arith.constant 0 : index
    %swap3A_10 = arith.constant 0 : index
    %swap3A_11 = vector.load %arg6[%swap3A, %swap3A_10] : memref<1000x256xf32, #tpu.memory_space<vmem>>, vector<1000x256xf32>
    tpu.vector_store %arg6[%swap3A, %swap3A_10], %add3A_9 {strides = array<i32>} : memref<1000x256xf32, #tpu.memory_space<vmem>>, vector<1000x256xf32>,
    %get3A_12 = arith.constant 0 : index
    %get3A_13 = arith.constant 0 : index
    %get3A_14 = vector.load %arg4[%get3A_12, %get3A_13] : memref<128x64xf32, #tpu.memory_space<vmem>>, vector<128x64xf32>
    %dot_general3A_15 = arith.constant dense<0.000000e+00> : vector<1000x64xf32>
    %dot_general3A_16 = tpu.matmul %get3A_1, %get3A_14, %dot_general3A_15 {dimension_numbers = #tpu.dot_dimension_numbers<[1], [0], [0], [1], [0, 0, 1, 1], [], []>, transpose_lhs_hint = false} : vector<1000x128xf32>, vector<128x64xf32>, vector<1000x64xf32> -> vector<1000x64xf32>
    %get3A_17 = arith.constant 0 : index
    %get3A_18 = arith.constant 0 : index
    %get3A_19 = vector.load %arg5[%get3A_17, %get3A_18] : memref<1x64xf32, #tpu.memory_space<vmem>>, vector<1x64xf32>
    %add3A_20 = vector.broadcast %get3A_19 : vector<1x64xf32> to vector<1000x64xf32>
    %add3A_21 = arith.addf %dot_general3A_16, %add3A_20 : vector<1000x64xf32>
    %swap3A_22 = arith.constant 0 : index
    %swap3A_23 = arith.constant 0 : index
    %swap3A_24 = vector.load %arg7[%swap3A_22, %swap3A_23] : memref<1000x64xf32, #tpu.memory_space<vmem>>, vector<1000x64xf32>
    tpu.vector_store %arg7[%swap3A_22, %swap3A_23], %add3A_21 {strides = array<i32>} : memref<1000x64xf32, #tpu.memory_space<vmem>>, vector<1000x64xf32>,
    return
  }
  func.func @transform_0(%arg0: i32) -> (i32, i32) {
    %c0_i32 = arith.constant 0 : i32
    %c0_i32_0 = arith.constant 0 : i32
    return %arg0, %c0_i32 : i32, i32
  }
  func.func @transform_1(%arg0: i32) -> (i32, i32) {
    %c0_i32 = arith.constant 0 : i32
    %c0_i32_0 = arith.constant 0 : i32
    %c0_i32_1 = arith.constant 0 : i32
    return %c0_i32, %c0_i32_0 : i32, i32
  }
  func.func @transform_2(%arg0: i32) -> (i32, i32) {
    %c0_i32 = arith.constant 0 : i32
    %c0_i32_0 = arith.constant 0 : i32
    %c0_i32_1 = arith.constant 0 : i32
    return %c0_i32, %c0_i32_0 : i32, i32
  }
  func.func @transform_3(%arg0: i32) -> (i32, i32) {
    %c0_i32 = arith.constant 0 : i32
    %c0_i32_0 = arith.constant 0 : i32
    %c0_i32_1 = arith.constant 0 : i32
    return %c0_i32, %c0_i32_0 : i32, i32
  }
  func.func @transform_4(%arg0: i32) -> (i32, i32) {
    %c0_i32 = arith.constant 0 : i32
    %c0_i32_0 = arith.constant 0 : i32
    %c0_i32_1 = arith.constant 0 : i32
    return %c0_i32, %c0_i32_0 : i32, i32
  }
  func.func @transform_5(%arg0: i32) -> (i32, i32) {
    %c0_i32 = arith.constant 0 : i32
    %c0_i32_0 = arith.constant 0 : i32
    return %arg0, %c0_i32 : i32, i32
  }
  func.func @transform_6(%arg0: i32) -> (i32, i32) {
    %c0_i32 = arith.constant 0 : i32
    %c0_i32_0 = arith.constant 0 : i32
    return %arg0, %c0_i32 : i32, i32
  }
}

module attributes {stable_mosaic.version = 14 : i64} {
  func.func @_tc_stage_c(%arg0: i32, %arg1: memref<1000x64xf32, #tpu.memory_space<vmem>>, %arg2: memref<2x1000x64xf32, #tpu.memory_space<vmem>>, %arg3: memref<1x64xf32, #tpu.memory_space<vmem>>, %arg4: memref<1x64xf32, #tpu.memory_space<vmem>>, %arg5: memref<64x256xf32, #tpu.memory_space<vmem>>, %arg6: memref<1x256xf32, #tpu.memory_space<vmem>>, %arg7: memref<64x64xf32, #tpu.memory_space<vmem>>, %arg8: memref<1x64xf32, #tpu.memory_space<vmem>>, %arg9: memref<1000x256xf32, #tpu.memory_space<vmem>>, %arg10: memref<1000x64xf32, #tpu.memory_space<vmem>>) attributes {dimension_semantics = [#tpu.dimension_semantics<arbitrary>], iteration_bounds = array<i64: 10>, scalar_prefetch = 0 : i64, scratch_operands = 0 : i64, tpu.core_type = #tpu.core_type<tc>, window_params = [{transform_indices = @transform_0, window_bounds = array<i64: 1000, 64>}, {transform_indices = @transform_1, window_bounds = array<i64: 2, 1000, 64>}, {pipeline_mode = #tpu.pipeline_mode<synchronous>, transform_indices = @transform_2, window_bounds = array<i64: 1, 64>}, {pipeline_mode = #tpu.pipeline_mode<synchronous>, transform_indices = @transform_3, window_bounds = array<i64: 1, 64>}, {pipeline_mode = #tpu.pipeline_mode<synchronous>, transform_indices = @transform_4, window_bounds = array<i64: 64, 256>}, {pipeline_mode = #tpu.pipeline_mode<synchronous>, transform_indices = @transform_5, window_bounds = array<i64: 1, 256>}, {pipeline_mode = #tpu.pipeline_mode<synchronous>, transform_indices = @transform_6, window_bounds = array<i64: 64, 64>}, {pipeline_mode = #tpu.pipeline_mode<synchronous>, transform_indices = @transform_7, window_bounds = array<i64: 1, 64>}, {transform_indices = @transform_8, window_bounds = array<i64: 1000, 256>}, {transform_indices = @transform_9, window_bounds = array<i64: 1000, 64>}]} {
    %get3A = arith.constant 0 : index
    %get3A_0 = arith.constant 0 : index
    %get3A_1 = vector.load %arg1[%get3A, %get3A_0] : memref<1000x64xf32, #tpu.memory_space<vmem>>, vector<1000x64xf32>
    %get3A_2 = arith.constant 0 : index
    %get3A_3 = arith.constant 0 : index
    %get3A_4 = arith.constant 0 : index
    %get3A_5 = vector.load %arg2[%get3A_2, %get3A_3, %get3A_4] : memref<2x1000x64xf32, #tpu.memory_space<vmem>>, vector<1x1000x64xf32>
    %get3A_6 = vector.shape_cast %get3A_5 : vector<1x1000x64xf32> to vector<1000x64xf32>
    %add3A = arith.addf %get3A_1, %get3A_6 : vector<1000x64xf32>
    %get3A_7 = arith.constant 1 : index
    %get3A_8 = arith.constant 0 : index
    %get3A_9 = arith.constant 0 : index
    %get3A_10 = vector.load %arg2[%get3A_7, %get3A_8, %get3A_9] : memref<2x1000x64xf32, #tpu.memory_space<vmem>>, vector<1x1000x64xf32>
    %get3A_11 = vector.shape_cast %get3A_10 : vector<1x1000x64xf32> to vector<1000x64xf32>
    %add3A_12 = arith.addf %add3A, %get3A_11 : vector<1000x64xf32>
    %reduce_sum3A = arith.constant dense<0.000000e+00> : vector<1000xf32>
    %reduce_sum3A_13 = vector.multi_reduction <add>, %add3A_12, %reduce_sum3A [1] : vector<1000x64xf32> to vector<1000xf32>
    %broadcast_in_dim3A = vector.shape_cast %reduce_sum3A_13 : vector<1000xf32> to vector<1000x1xf32>
    %mul3A = arith.constant 2.000000e-02 : f32
    %mul3A_14 = vector.broadcast %mul3A : f32 to vector<1000x1xf32>
    %mul3A_15 = arith.mulf %broadcast_in_dim3A, %mul3A_14 : vector<1000x1xf32>
    %mul3A_16 = arith.mulf %add3A_12, %add3A_12 : vector<1000x64xf32>
    %reduce_sum3A_17 = arith.constant dense<0.000000e+00> : vector<1000xf32>
    %reduce_sum3A_18 = vector.multi_reduction <add>, %mul3A_16, %reduce_sum3A_17 [1] : vector<1000x64xf32> to vector<1000xf32>
    %broadcast_in_dim3A_19 = vector.shape_cast %reduce_sum3A_18 : vector<1000xf32> to vector<1000x1xf32>
    %mul3A_20 = arith.constant 2.000000e-02 : f32
    %mul3A_21 = vector.broadcast %mul3A_20 : f32 to vector<1000x1xf32>
    %mul3A_22 = arith.mulf %broadcast_in_dim3A_19, %mul3A_21 : vector<1000x1xf32>
    %mul3A_23 = arith.mulf %mul3A_15, %mul3A_15 : vector<1000x1xf32>
    %sub3A = arith.subf %mul3A_22, %mul3A_23 : vector<1000x1xf32>
    %sub3A_24 = vector.broadcast %mul3A_15 : vector<1000x1xf32> to vector<1000x64xf32>
    %sub3A_25 = arith.subf %add3A_12, %sub3A_24 : vector<1000x64xf32>
    %add3A_26 = arith.constant 9.99999974E-6 : f32
    %add3A_27 = vector.broadcast %add3A_26 : f32 to vector<1000x1xf32>
    %add3A_28 = arith.addf %sub3A, %add3A_27 : vector<1000x1xf32>
    %rsqrt3A = math.rsqrt %add3A_28 : vector<1000x1xf32>
    %mul3A_29 = vector.broadcast %rsqrt3A : vector<1000x1xf32> to vector<1000x64xf32>
    %mul3A_30 = arith.mulf %sub3A_25, %mul3A_29 : vector<1000x64xf32>
    %get3A_31 = arith.constant 0 : index
    %get3A_32 = arith.constant 0 : index
    %get3A_33 = vector.load %arg3[%get3A_31, %get3A_32] : memref<1x64xf32, #tpu.memory_space<vmem>>, vector<1x64xf32>
    %mul3A_34 = vector.broadcast %get3A_33 : vector<1x64xf32> to vector<1000x64xf32>
    %mul3A_35 = arith.mulf %mul3A_30, %mul3A_34 : vector<1000x64xf32>
    %get3A_36 = arith.constant 0 : index
    %get3A_37 = arith.constant 0 : index
    %get3A_38 = vector.load %arg4[%get3A_36, %get3A_37] : memref<1x64xf32, #tpu.memory_space<vmem>>, vector<1x64xf32>
    %add3A_39 = vector.broadcast %get3A_38 : vector<1x64xf32> to vector<1000x64xf32>
    %add3A_40 = arith.addf %mul3A_35, %add3A_39 : vector<1000x64xf32>
    %get3A_41 = arith.constant 0 : index
    %get3A_42 = arith.constant 0 : index
    %get3A_43 = vector.load %arg5[%get3A_41, %get3A_42] : memref<64x256xf32, #tpu.memory_space<vmem>>, vector<64x256xf32>
    %dot_general3A = arith.constant dense<0.000000e+00> : vector<1000x256xf32>
    %dot_general3A_44 = tpu.matmul %add3A_40, %get3A_43, %dot_general3A {dimension_numbers = #tpu.dot_dimension_numbers<[1], [0], [0], [1], [0, 0, 1, 1], [], []>, transpose_lhs_hint = false} : vector<1000x64xf32>, vector<64x256xf32>, vector<1000x256xf32> -> vector<1000x256xf32>
    %get3A_45 = arith.constant 0 : index
    %get3A_46 = arith.constant 0 : index
    %get3A_47 = vector.load %arg6[%get3A_45, %get3A_46] : memref<1x256xf32, #tpu.memory_space<vmem>>, vector<1x256xf32>
    %add3A_48 = vector.broadcast %get3A_47 : vector<1x256xf32> to vector<1000x256xf32>
    %add3A_49 = arith.addf %dot_general3A_44, %add3A_48 : vector<1000x256xf32>
    %swap3A = arith.constant 0 : index
    %swap3A_50 = arith.constant 0 : index
    %swap3A_51 = vector.load %arg9[%swap3A, %swap3A_50] : memref<1000x256xf32, #tpu.memory_space<vmem>>, vector<1000x256xf32>
    tpu.vector_store %arg9[%swap3A, %swap3A_50], %add3A_49 {strides = array<i32>} : memref<1000x256xf32, #tpu.memory_space<vmem>>, vector<1000x256xf32>,
    %get3A_52 = arith.constant 0 : index
    %get3A_53 = arith.constant 0 : index
    %get3A_54 = vector.load %arg7[%get3A_52, %get3A_53] : memref<64x64xf32, #tpu.memory_space<vmem>>, vector<64x64xf32>
    %dot_general3A_55 = arith.constant dense<0.000000e+00> : vector<1000x64xf32>
    %dot_general3A_56 = tpu.matmul %add3A_40, %get3A_54, %dot_general3A_55 {dimension_numbers = #tpu.dot_dimension_numbers<[1], [0], [0], [1], [0, 0, 1, 1], [], []>, transpose_lhs_hint = false} : vector<1000x64xf32>, vector<64x64xf32>, vector<1000x64xf32> -> vector<1000x64xf32>
    %get3A_57 = arith.constant 0 : index
    %get3A_58 = arith.constant 0 : index
    %get3A_59 = vector.load %arg8[%get3A_57, %get3A_58] : memref<1x64xf32, #tpu.memory_space<vmem>>, vector<1x64xf32>
    %add3A_60 = vector.broadcast %get3A_59 : vector<1x64xf32> to vector<1000x64xf32>
    %add3A_61 = arith.addf %dot_general3A_56, %add3A_60 : vector<1000x64xf32>
    %swap3A_62 = arith.constant 0 : index
    %swap3A_63 = arith.constant 0 : index
    %swap3A_64 = vector.load %arg10[%swap3A_62, %swap3A_63] : memref<1000x64xf32, #tpu.memory_space<vmem>>, vector<1000x64xf32>
    tpu.vector_store %arg10[%swap3A_62, %swap3A_63], %add3A_61 {strides = array<i32>} : memref<1000x64xf32, #tpu.memory_space<vmem>>, vector<1000x64xf32>,
    return
  }
  func.func @transform_0(%arg0: i32) -> (i32, i32) {
    %c0_i32 = arith.constant 0 : i32
    %c0_i32_0 = arith.constant 0 : i32
    return %arg0, %c0_i32 : i32, i32
  }
  func.func @transform_1(%arg0: i32) -> (i32, i32, i32) {
    %c0_i32 = arith.constant 0 : i32
    %c0_i32_0 = arith.constant 0 : i32
    %c0_i32_1 = arith.constant 0 : i32
    return %c0_i32, %arg0, %c0_i32_0 : i32, i32, i32
  }
  func.func @transform_2(%arg0: i32) -> (i32, i32) {
    %c0_i32 = arith.constant 0 : i32
    %c0_i32_0 = arith.constant 0 : i32
    %c0_i32_1 = arith.constant 0 : i32
    return %c0_i32, %c0_i32_0 : i32, i32
  }
  func.func @transform_3(%arg0: i32) -> (i32, i32) {
    %c0_i32 = arith.constant 0 : i32
    %c0_i32_0 = arith.constant 0 : i32
    %c0_i32_1 = arith.constant 0 : i32
    return %c0_i32, %c0_i32_0 : i32, i32
  }
  func.func @transform_4(%arg0: i32) -> (i32, i32) {
    %c0_i32 = arith.constant 0 : i32
    %c0_i32_0 = arith.constant 0 : i32
    %c0_i32_1 = arith.constant 0 : i32
    return %c0_i32, %c0_i32_0 : i32, i32
  }
  func.func @transform_5(%arg0: i32) -> (i32, i32) {
    %c0_i32 = arith.constant 0 : i32
    %c0_i32_0 = arith.constant 0 : i32
    %c0_i32_1 = arith.constant 0 : i32
    return %c0_i32, %c0_i32_0 : i32, i32
  }
  func.func @transform_6(%arg0: i32) -> (i32, i32) {
    %c0_i32 = arith.constant 0 : i32
    %c0_i32_0 = arith.constant 0 : i32
    %c0_i32_1 = arith.constant 0 : i32
    return %c0_i32, %c0_i32_0 : i32, i32
  }
  func.func @transform_7(%arg0: i32) -> (i32, i32) {
    %c0_i32 = arith.constant 0 : i32
    %c0_i32_0 = arith.constant 0 : i32
    %c0_i32_1 = arith.constant 0 : i32
    return %c0_i32, %c0_i32_0 : i32, i32
  }
  func.func @transform_8(%arg0: i32) -> (i32, i32) {
    %c0_i32 = arith.constant 0 : i32
    %c0_i32_0 = arith.constant 0 : i32
    return %arg0, %c0_i32 : i32, i32
  }
  func.func @transform_9(%arg0: i32) -> (i32, i32) {
    %c0_i32 = arith.constant 0 : i32
    %c0_i32_0 = arith.constant 0 : i32
    return %arg0, %c0_i32 : i32, i32
  }
}

module attributes {stable_mosaic.version = 14 : i64} {
  func.func @_tc_stage_d(%arg0: i32, %arg1: memref<1000x64xf32, #tpu.memory_space<vmem>>, %arg2: memref<2x1000x64xf32, #tpu.memory_space<vmem>>, %arg3: memref<64x64xf32, #tpu.memory_space<vmem>>, %arg4: memref<1x64xf32, #tpu.memory_space<vmem>>, %arg5: memref<64x128xf32, #tpu.memory_space<vmem>>, %arg6: memref<1000x128xf32, #tpu.memory_space<vmem>>) attributes {dimension_semantics = [#tpu.dimension_semantics<arbitrary>], iteration_bounds = array<i64: 10>, scalar_prefetch = 0 : i64, scratch_operands = 0 : i64, tpu.core_type = #tpu.core_type<tc>, window_params = [{transform_indices = @transform_0, window_bounds = array<i64: 1000, 64>}, {transform_indices = @transform_1, window_bounds = array<i64: 2, 1000, 64>}, {pipeline_mode = #tpu.pipeline_mode<synchronous>, transform_indices = @transform_2, window_bounds = array<i64: 64, 64>}, {pipeline_mode = #tpu.pipeline_mode<synchronous>, transform_indices = @transform_3, window_bounds = array<i64: 1, 64>}, {pipeline_mode = #tpu.pipeline_mode<synchronous>, transform_indices = @transform_4, window_bounds = array<i64: 64, 128>}, {transform_indices = @transform_5, window_bounds = array<i64: 1000, 128>}]} {
    %get3A = arith.constant 0 : index
    %get3A_0 = arith.constant 0 : index
    %get3A_1 = vector.load %arg1[%get3A, %get3A_0] : memref<1000x64xf32, #tpu.memory_space<vmem>>, vector<1000x64xf32>
    %get3A_2 = arith.constant 0 : index
    %get3A_3 = arith.constant 0 : index
    %get3A_4 = arith.constant 0 : index
    %get3A_5 = vector.load %arg2[%get3A_2, %get3A_3, %get3A_4] : memref<2x1000x64xf32, #tpu.memory_space<vmem>>, vector<1x1000x64xf32>
    %get3A_6 = vector.shape_cast %get3A_5 : vector<1x1000x64xf32> to vector<1000x64xf32>
    %add3A = arith.addf %get3A_1, %get3A_6 : vector<1000x64xf32>
    %get3A_7 = arith.constant 1 : index
    %get3A_8 = arith.constant 0 : index
    %get3A_9 = arith.constant 0 : index
    %get3A_10 = vector.load %arg2[%get3A_7, %get3A_8, %get3A_9] : memref<2x1000x64xf32, #tpu.memory_space<vmem>>, vector<1x1000x64xf32>
    %get3A_11 = vector.shape_cast %get3A_10 : vector<1x1000x64xf32> to vector<1000x64xf32>
    %add3A_12 = arith.addf %add3A, %get3A_11 : vector<1000x64xf32>
    %get3A_13 = arith.constant 0 : index
    %get3A_14 = arith.constant 0 : index
    %get3A_15 = vector.load %arg3[%get3A_13, %get3A_14] : memref<64x64xf32, #tpu.memory_space<vmem>>, vector<64x64xf32>
    %dot_general3A = arith.constant dense<0.000000e+00> : vector<1000x64xf32>
    %dot_general3A_16 = tpu.matmul %add3A_12, %get3A_15, %dot_general3A {dimension_numbers = #tpu.dot_dimension_numbers<[1], [0], [0], [1], [0, 0, 1, 1], [], []>, transpose_lhs_hint = false} : vector<1000x64xf32>, vector<64x64xf32>, vector<1000x64xf32> -> vector<1000x64xf32>
    %get3A_17 = arith.constant 0 : index
    %get3A_18 = arith.constant 0 : index
    %get3A_19 = vector.load %arg4[%get3A_17, %get3A_18] : memref<1x64xf32, #tpu.memory_space<vmem>>, vector<1x64xf32>
    %add3A_20 = vector.broadcast %get3A_19 : vector<1x64xf32> to vector<1000x64xf32>
    %add3A_21 = arith.addf %dot_general3A_16, %add3A_20 : vector<1000x64xf32>
    %get3A_22 = arith.constant 0 : index
    %get3A_23 = arith.constant 0 : index
    %get3A_24 = vector.load %arg5[%get3A_22, %get3A_23] : memref<64x128xf32, #tpu.memory_space<vmem>>, vector<64x128xf32>
    %dot_general3A_25 = arith.constant dense<0.000000e+00> : vector<1000x128xf32>
    %dot_general3A_26 = tpu.matmul %add3A_21, %get3A_24, %dot_general3A_25 {dimension_numbers = #tpu.dot_dimension_numbers<[1], [0], [0], [1], [0, 0, 1, 1], [], []>, transpose_lhs_hint = false} : vector<1000x64xf32>, vector<64x128xf32>, vector<1000x128xf32> -> vector<1000x128xf32>
    %swap3A = arith.constant 0 : index
    %swap3A_27 = arith.constant 0 : index
    %swap3A_28 = vector.load %arg6[%swap3A, %swap3A_27] : memref<1000x128xf32, #tpu.memory_space<vmem>>, vector<1000x128xf32>
    tpu.vector_store %arg6[%swap3A, %swap3A_27], %dot_general3A_26 {strides = array<i32>} : memref<1000x128xf32, #tpu.memory_space<vmem>>, vector<1000x128xf32>,
    return
  }
  func.func @transform_0(%arg0: i32) -> (i32, i32) {
    %c0_i32 = arith.constant 0 : i32
    %c0_i32_0 = arith.constant 0 : i32
    return %arg0, %c0_i32 : i32, i32
  }
  func.func @transform_1(%arg0: i32) -> (i32, i32, i32) {
    %c0_i32 = arith.constant 0 : i32
    %c0_i32_0 = arith.constant 0 : i32
    %c0_i32_1 = arith.constant 0 : i32
    return %c0_i32, %arg0, %c0_i32_0 : i32, i32, i32
  }
  func.func @transform_2(%arg0: i32) -> (i32, i32) {
    %c0_i32 = arith.constant 0 : i32
    %c0_i32_0 = arith.constant 0 : i32
    %c0_i32_1 = arith.constant 0 : i32
    return %c0_i32, %c0_i32_0 : i32, i32
  }
  func.func @transform_3(%arg0: i32) -> (i32, i32) {
    %c0_i32 = arith.constant 0 : i32
    %c0_i32_0 = arith.constant 0 : i32
    %c0_i32_1 = arith.constant 0 : i32
    return %c0_i32, %c0_i32_0 : i32, i32
  }
  func.func @transform_4(%arg0: i32) -> (i32, i32) {
    %c0_i32 = arith.constant 0 : i32
    %c0_i32_0 = arith.constant 0 : i32
    %c0_i32_1 = arith.constant 0 : i32
    return %c0_i32, %c0_i32_0 : i32, i32
  }
  func.func @transform_5(%arg0: i32) -> (i32, i32) {
    %c0_i32 = arith.constant 0 : i32
    %c0_i32_0 = arith.constant 0 : i32
    return %arg0, %c0_i32 : i32, i32
  }
}

module attributes {stable_mosaic.version = 14 : i64} {
  func.func @_tc_stage_f(%arg0: i32, %arg1: memref<1024x64xf32, #tpu.memory_space<vmem>>, %arg2: memref<1x64xf32, #tpu.memory_space<vmem>>, %arg3: memref<64x128xf32, #tpu.memory_space<vmem>>, %arg4: memref<1x128xf32, #tpu.memory_space<vmem>>, %arg5: memref<1024x128xf32, #tpu.memory_space<vmem>>) attributes {dimension_semantics = [#tpu.dimension_semantics<arbitrary>], iteration_bounds = array<i64: 1>, scalar_prefetch = 0 : i64, scratch_operands = 0 : i64, tpu.core_type = #tpu.core_type<tc>, window_params = [{pipeline_mode = #tpu.pipeline_mode<synchronous>, transform_indices = @transform_0, window_bounds = array<i64: 1024, 64>}, {pipeline_mode = #tpu.pipeline_mode<synchronous>, transform_indices = @transform_1, window_bounds = array<i64: 1, 64>}, {pipeline_mode = #tpu.pipeline_mode<synchronous>, transform_indices = @transform_2, window_bounds = array<i64: 64, 128>}, {pipeline_mode = #tpu.pipeline_mode<synchronous>, transform_indices = @transform_3, window_bounds = array<i64: 1, 128>}, {pipeline_mode = #tpu.pipeline_mode<synchronous>, transform_indices = @transform_4, window_bounds = array<i64: 1024, 128>}]} {
    %get3A = arith.constant 0 : index
    %get3A_0 = arith.constant 0 : index
    %get3A_1 = vector.load %arg1[%get3A, %get3A_0] : memref<1024x64xf32, #tpu.memory_space<vmem>>, vector<1024x64xf32>
    %get3A_2 = arith.constant 0 : index
    %get3A_3 = arith.constant 0 : index
    %get3A_4 = vector.load %arg2[%get3A_2, %get3A_3] : memref<1x64xf32, #tpu.memory_space<vmem>>, vector<1x64xf32>
    %add3A = vector.broadcast %get3A_4 : vector<1x64xf32> to vector<1024x64xf32>
    %add3A_5 = arith.addf %get3A_1, %add3A : vector<1024x64xf32>
    %ge3A = arith.constant 0.000000e+00 : f32
    %ge3A_6 = vector.broadcast %ge3A : f32 to vector<1024x64xf32>
    %ge3A_7 = arith.cmpf oge, %add3A_5, %ge3A_6 : vector<1024x64xf32>
    %mul3A = arith.constant 0.00999999977 : f32
    %mul3A_8 = vector.broadcast %mul3A : f32 to vector<1024x64xf32>
    %mul3A_9 = arith.mulf %mul3A_8, %add3A_5 : vector<1024x64xf32>
    %select_n3A = arith.select %ge3A_7, %add3A_5, %mul3A_9 : vector<1024x64xi1>, vector<1024x64xf32>
    %get3A_10 = arith.constant 0 : index
    %get3A_11 = arith.constant 0 : index
    %get3A_12 = vector.load %arg3[%get3A_10, %get3A_11] : memref<64x128xf32, #tpu.memory_space<vmem>>, vector<64x128xf32>
    %dot_general3A = arith.constant dense<0.000000e+00> : vector<1024x128xf32>
    %dot_general3A_13 = tpu.matmul %select_n3A, %get3A_12, %dot_general3A {dimension_numbers = #tpu.dot_dimension_numbers<[1], [0], [0], [1], [0, 0, 1, 1], [], []>, transpose_lhs_hint = false} : vector<1024x64xf32>, vector<64x128xf32>, vector<1024x128xf32> -> vector<1024x128xf32>
    %get3A_14 = arith.constant 0 : index
    %get3A_15 = arith.constant 0 : index
    %get3A_16 = vector.load %arg4[%get3A_14, %get3A_15] : memref<1x128xf32, #tpu.memory_space<vmem>>, vector<1x128xf32>
    %add3A_17 = vector.broadcast %get3A_16 : vector<1x128xf32> to vector<1024x128xf32>
    %add3A_18 = arith.addf %dot_general3A_13, %add3A_17 : vector<1024x128xf32>
    %swap3A = arith.constant 0 : index
    %swap3A_19 = arith.constant 0 : index
    %swap3A_20 = vector.load %arg5[%swap3A, %swap3A_19] : memref<1024x128xf32, #tpu.memory_space<vmem>>, vector<1024x128xf32>
    tpu.vector_store %arg5[%swap3A, %swap3A_19], %add3A_18 {strides = array<i32>} : memref<1024x128xf32, #tpu.memory_space<vmem>>, vector<1024x128xf32>,
    return
  }
  func.func @transform_0(%arg0: i32) -> (i32, i32) {
    %c0_i32 = arith.constant 0 : i32
    %c0_i32_0 = arith.constant 0 : i32
    %c0_i32_1 = arith.constant 0 : i32
    return %c0_i32, %c0_i32_0 : i32, i32
  }
  func.func @transform_1(%arg0: i32) -> (i32, i32) {
    %c0_i32 = arith.constant 0 : i32
    %c0_i32_0 = arith.constant 0 : i32
    %c0_i32_1 = arith.constant 0 : i32
    return %c0_i32, %c0_i32_0 : i32, i32
  }
  func.func @transform_2(%arg0: i32) -> (i32, i32) {
    %c0_i32 = arith.constant 0 : i32
    %c0_i32_0 = arith.constant 0 : i32
    %c0_i32_1 = arith.constant 0 : i32
    return %c0_i32, %c0_i32_0 : i32, i32
  }
  func.func @transform_3(%arg0: i32) -> (i32, i32) {
    %c0_i32 = arith.constant 0 : i32
    %c0_i32_0 = arith.constant 0 : i32
    %c0_i32_1 = arith.constant 0 : i32
    return %c0_i32, %c0_i32_0 : i32, i32
  }
  func.func @transform_4(%arg0: i32) -> (i32, i32) {
    %c0_i32 = arith.constant 0 : i32
    %c0_i32_0 = arith.constant 0 : i32
    %c0_i32_1 = arith.constant 0 : i32
    return %c0_i32, %c0_i32_0 : i32, i32
  }
}

</mosaic_0001>

<sc_bundles>
// kernel: kernel.12.cloned.1.call-start
scs
__scs_entry_jumppad:
0x0: {  	(pc) =	sbr.rel $0x88, $3  }
0x1: {  	(tag) =	ssettag $0x0;
	lr =	simm.s32 $0x1  }
0x2: {  	[smem:$0x3F8C] =	sst lr;
	_ =	strace $0xD0000000  }
0x3: {  	_ = 	snop  }
0x4: {  	_ = 	snop  }
0x5: {  	_ = 	snop  }
0x6: {  	_ = 	snop  }
0x7: {  	_ = 	snop  }
__scs_overlays_trampoline_lowered:
0x8: {  	[smem:$0x3F9B] =	sst s0  }
0x9: {  	[smem:$0x3F9C] =	sst s1  }
0xa: {  	[smem:$0x3F9D] =	sst s2  }
0xb: {  	[smem:$0x3F9E] =	sst s3  }
0xc: {  	[smem:$0x3F9F] =	sst s4  }
0xd: {  	[smem:$0x3FA0] =	sst s5  }
0xe: {  	[smem:$0x3FA1] =	sst s6  }
0xf: {  	[smem:$0x3FA2] =	sst s7  }
0x10: {  	[smem:$0x3FA3] =	sst s8  }
0x11: {  	[smem:$0x3FA4] =	sst s9;
	s0 =	simm.s32 @!p0 $0x0  }
0x12: {  	s1 =	sld [smem:$0x3F8A];
	s0 =	simm.s32 @p0 $0x1  }
0x13: {  	[smem:$0x3FA5] =	sst s0;
	s0 =	simm.s32 @!p1 $0x0  }
0x14: {  	s2 =	sld [smem:$0x3F89];
	s0 =	simm.s32 @p1 $0x1  }
0x15: {  	[smem:$0x3FA6] =	sst s0;
	s0 =	simm.s32 @!p2 $0x0  }
0x16: {  	s3 =	sld [smem:$0x3FDB];
	s0 =	simm.s32 @p2 $0x1  }
0x17: {  	s4 =	simm.s32 $0x1BF5;
	[smem:$0x3FA8] =	sst s0  }
0x18: {  	s0 =	sld [smem:$0x3F8B];
	_ =	swait.ge [sflag:s4], $0x0  }
0x19: {  	s7 =	sld [smem:$0x3F8C]  }
0x1a: {  	s8 =	sadd.s32 $0xFFFFE003, lr  }
0x1b: {  	s9 =	sadd.s32 $0xFFFFFEF7, lr;
	s5 =	simm.s32 $0xFFFFFFFF;
	p2 =	slt.u32 s8, $0xFFFFF086  }
0x1c: {  	p1 =	slt.u32 s9, $0xF7A;
	s5 =	simm.s32 @!p2 $0x0  }
0x1d: {  	s5 =	simm.s32 @p1 $0x1;
	p0 =	seq.s32 s7, s2  }
0x1e: {  	s7 =	smul.u32 @!p0 $0xF7A, s2;
	p2 =	seq.s32 @!p0 s5, $0x0  }
0x1f: {  	s9 =	smul.u32 $0xF7A, s1;
	s8 =	simm.s32 @!p0 $0x1BF5;
	p2 =	por !p2, p0  }
0x20: {  	[sflag:s8] =	ssyncset.s32 @!p0 $0xFFFFF086;
	s6 =	sadd.s32 @!p0 s3, s7;
	s7 =	simm.s32 @!p0 $0x108  }
0x21: {  	s3 =	sadd.s32 s3, s9;
	s6 =	sadd.s32 @!p0 $0x88, s6;
	s7 =	simm.s32 @p2 $0x1082  }
0x22: {  	[simem:s7], [sflag:s8] =	dma.local @!p0 [hbm:s6], $0xF7A  }
0x23: {  	s9 =	sor.u32 $0xD0000000, s2;
	s6 =	simm.s32 $0x108;
	_ =	swait.ge @!p0 [sflag:s8], $0x0  }
0x24: {  	s3 =	sadd.s32 $0x88, s3;
	s6 =	simm.s32 @!p1 $0x1082;
	[sflag:s4] =	ssyncset.s32 $0xFFFFF086  }
0x25: {  	[simem:s6], [sflag:s4] =	dma.local [hbm:s3], $0xF7A  }
0x26: {  	[smem:$0x3F8C] =	sst s1;
	(tag) =	ssettag s2;
	_ =	strace s9  }
0x27: {  	s1 =	sld [smem:$0x3F9C]  }
0x28: {  	s2 =	sld [smem:$0x3F9D]  }
0x29: {  	s4 =	sld [smem:$0x3F9F]  }
0x2a: {  	p0 =	seq.s32 s5, $0x0;
	s5 =	sld [smem:$0x3FA0]  }
0x2b: {  	s6 =	sld [smem:$0x3FA1]  }
0x2c: {  	s7 =	sld [smem:$0x3FA2]  }
0x2d: {  	s3 =	simm.s32 $0x108;
	s8 =	sld [smem:$0x3FA3]  }
0x2e: {  	s3 =	simm.s32 @!p0 $0x1082;
	s9 =	sld [smem:$0x3FA4]  }
0x2f: {  	lr =	sadd.s32 s0, s3;
	s0 =	sld [smem:$0x3F9B]  }
0x30: {  	s3 =	sld [smem:$0x3F9E]  }
0x31: {  	[smem:$0x3FA7] =	sst s10  }
0x32: {  	s10 =	sld [smem:$0x3FA5];
	_ =	sdelay $0x3  }
0x33: {  	p0 =	seq.s32 s10, $0x1;
	s10 =	sld [smem:$0x3FA7];
	_ =	sdelay $0x3  }
0x34: {  	[smem:$0x3FA7] =	sst s10  }
0x35: {  	s10 =	sld [smem:$0x3FA6];
	_ =	sdelay $0x3  }
0x36: {  	p1 =	seq.s32 s10, $0x1;
	s10 =	sld [smem:$0x3FA7];
	_ =	sdelay $0x3  }
0x37: {  	[smem:$0x3FA7] =	sst s10  }
0x38: {  	s10 =	sld [smem:$0x3FA8]  }
0x39: {  	_ = 	snop;
	(pc) =	sbr.ind lr, $3  }
0x3a: {  	_ = 	snop  }
0x3b: {  	_ = 	snop  }
0x3c: {  	p2 =	seq.s32 s10, $0x1;
	s10 =	sld [smem:$0x3FA7]  }
0x3d: {  	_ =	shalt  }
0x3e: {  	_ =	shalt  }
0x3f: {  	_ =	shalt  }
0x40: {  	_ =	shalt  }
0x41: {  	_ =	shalt  }
0x42: {  	_ =	shalt  }
0x43: {  	_ =	shalt  }
0x44: {  	_ =	shalt  }
0x45: {  	_ =	shalt  }
0x46: {  	_ =	shalt  }
0x47: {  	_ =	shalt  }
0x48: {  	_ =	shalt  }
0x49: {  	_ =	shalt  }
0x4a: {  	_ =	shalt  }
0x4b: {  	_ =	shalt  }
0x4c: {  	_ =	shalt  }
0x4d: {  	_ =	shalt  }
0x4e: {  	_ =	shalt  }
0x4f: {  	_ =	shalt  }
0x50: {  	_ =	shalt  }
0x51: {  	_ =	shalt  }
0x52: {  	_ =	shalt  }
0x53: {  	_ =	shalt  }
0x54: {  	_ =	shalt  }
0x55: {  	_ =	shalt  }
0x56: {  	_ =	shalt  }
0x57: {  	_ =	shalt  }
0x58: {  	_ =	shalt  }
0x59: {  	_ =	shalt  }
0x5a: {  	_ =	shalt  }
0x5b: {  	_ =	shalt  }
0x5c: {  	_ =	shalt  }
0x5d: {  	_ =	shalt  }
0x5e: {  	_ =	shalt  }
0x5f: {  	_ =	shalt  }
0x60: {  	_ =	shalt  }
0x61: {  	_ =	shalt  }
0x62: {  	_ =	shalt  }
0x63: {  	_ =	shalt  }
0x64: {  	_ =	shalt  }
0x65: {  	_ =	shalt  }
0x66: {  	_ =	shalt  }
0x67: {  	_ =	shalt  }
0x68: {  	_ =	shalt  }
0x69: {  	_ =	shalt  }
0x6a: {  	_ =	shalt  }
0x6b: {  	_ =	shalt  }
0x6c: {  	_ =	shalt  }
0x6d: {  	_ =	shalt  }
0x6e: {  	_ =	shalt  }
0x6f: {  	_ =	shalt  }
0x70: {  	_ =	shalt  }
0x71: {  	_ =	shalt  }
0x72: {  	_ =	shalt  }
0x73: {  	_ =	shalt  }
0x74: {  	_ =	shalt  }
0x75: {  	_ =	shalt  }
0x76: {  	_ =	shalt  }
0x77: {  	_ =	shalt  }
0x78: {  	_ =	shalt  }
0x79: {  	_ =	shalt  }
0x7a: {  	_ =	shalt  }
0x7b: {  	_ =	shalt  }
0x7c: {  	_ =	shalt  }
0x7d: {  	_ =	shalt  }
0x7e: {  	_ =	shalt  }
0x7f: {  	_ =	shalt  }
0x80: {  	_ =	shalt  }
0x81: {  	_ =	shalt  }
0x82: {  	_ =	shalt  }
0x83: {  	_ =	shalt  }
0x84: {  	_ =	shalt  }
0x85: {  	_ =	shalt  }
0x86: {  	_ =	shalt  }
0x87: {  	_ =	shalt  }
.Lfunc_end0:
.L_simem_size_0:
called_computation.1_lowered:
.L_overlay_start_0:
0x88: {  	s2 =	sld [smem:$0x3FD9]  }
0x89: {  	s3 =	sld [smem:$0x3FFE];
	_ =	sdelay $0x1  }
0x8a: {  	s1 =	srdreg.scid  }
0x8b: {  	s0 =	sand.u32 $0x1, s1  }
0x8c: {  	s16 =	sshll.u32 s0, $0xA;
	s2 =	sadd.s32 s3, s2  }
0x8d: {  	s2 =	sadd.s32 s2, s16  }
0x8e: {  	[smem:$0x3FB3] =	sst s2  }
0x8f: {  	_ = 	snop  }
0x90: {  	(tm) =	ssettm $0x1  }
0x91: {  	s17 =	sld [smem:$0x3FFB];
	_ =	sdelay $0x3  }
0x92: {  	_ =	strace s17  }
0x93: {  	s2 =	sld [smem:$0x3FFC];
	_ =	sdelay $0x3  }
0x94: {  	_ =	strace s2  }
0x95: {  	s2 =	sld [smem:$0x3FFD];
	_ =	sdelay $0x3  }
0x96: {  	_ =	strace s2  }
0x97: {  	_ =	strace $0x8FFFFFFF  }
0x98: {  	s18 =	sld [smem:$0x3FDB];
	_ =	sdelay $0x1  }
0x99: {  	s19 =	simm.s32 $_scs_section_size  }
0x9a: {  	s4 =	simm.s32 $_size__tile_overlayer_lowered;
	s5 =	simm.s32 $_tile_overlayer_lowered  }
0x9b: {  	s22 =	simm.s32 $0x1BFF;
	s21 =	sshll.u32 s5, $0x1;
	s2 =	sadd.s32 s19, s18  }
0x9c: {  	s6 =	simm.s32 $0x0;
	s20 =	sshll.u32 s4, $0x1;
	s4 =	sadd.s32 s21, s2  }
0x9d: {  	[timem:s6], [sflag:s22] =	dma.local [hbm:s4], s20  }
0x9e: {  	_ =	swait.ge [sflag:s22], s20  }
0x9f: {  	s3 =	ssub.s32 $0x0, s20;
	[sflag:s22] =	ssyncset.done $0x0  }
0xa0: {  	[sflag:s22] =	ssyncadd.s32 s3;
	_ =	sdelay $0x1  }
0xa1: {  	s23 =	simm.s32 $0x1B8B  }
0xa2: {  	_ =	swait.ge [sflag:s23], $0x1  }
0xa3: {  	[sflag:s23] =	ssyncset.done $0x0  }
0xa4: {  	s25 =	simm.s32 $0x1B8E;
	s24 =	sld [smem:$0x3FFE];
	[sflag:s23] =	ssyncadd.s32 $0xFFFFFFFF  }
0xa5: {  	s26 =	simm.s32 $execute0_lowered;
	[smem:$0x3FD2] =	sst s25  }
0xa6: {  	s4 =	sshll.u32 s26, $0x1;
	_ =	strace $0x80000049;
	[dreg:$0x1] =	wrdreg $0xFFFFFFFF  }
0xa7: {  	s28 =	simm.s32 $_size_execute0_lowered;
	s2 =	sadd.s32 s2, s4;
	[dreg:$0x0] =	wrdreg $0x0  }
0xa8: {  	s4 =	sshll.u32 s28, $0x1;
	[dreg:$0x2] =	wrdreg s2  }
0xa9: {  	[dreg:$0x3] =	wrdreg s4  }
0xaa: {  	[dreg:$0x4] =	wrdreg $0xC0  }
0xab: {  	_ =	task [dreg:s6], $0x5FFFF  }
0xac: {  	[dreg:$0x1] =	wrdreg $0xFFFFFFFF  }
0xad: {  	[dreg:$0x0] =	wrdreg $0x60  }
0xae: {  	[dreg:$0x2] =	wrdreg s24  }
0xaf: {  	[dreg:$0x3] =	wrdreg $0x7A800  }
0xb0: {  	[dreg:$0x4] =	wrdreg $0x9  }
0xb1: {  	_ =	task.clear_ibuf [dreg:s6], $0x5FFFF;
	_ =	strace $0x90000049  }
0xb2: {  	s29 =	simm.s32 $0x9;
	_ =	strace $0x8000004B  }
0xb3: {  	_ =	swait.ge [sflag:s29], $0x1  }
0xb4: {  	[sflag:s29] =	ssyncadd.s32 $0xFFFFFFFF  }
0xb5: {  	_ =	strace $0x9000004B  }
0xb6: {  	_ =	sfence  }
0xb7: {  	s30 =	sld [smem:$0x0];
	_ =	sdelay $0x2  }
0xb8: {  	s31 =	sshll.u32 s1, $0xD;
	s1 =	sshrl.u32 s1, $0x2  }
0xb9: {  	s3 =	sand.u32 $0x4000, s31;
	s1 =	sadd.s32 s1, s30  }
0xba: {  	s0 =	sor.u32 s3, s0;
	s1 =	sshll.u32 s1, $0x11  }
0xbb: {  	s0 =	sor.u32 s1, s0  }
0xbc: {  	s0 =	sadd.s32 $0x8F2B, s0  }
0xbd: {  	[sflag:s0] =	ssyncadd.remote.s32 $0x1  }
0xbe: {  	_ =	sfence.sel $0xFFFF  }
0xbf: {  	[dreg:$0x0] =	wrdreg $0xFFFFFFFF;
	(pc) =	sbr.abs _section_cstart, $3  }
0xc0: {  	[dreg:$0x1] =	wrdreg $0xFFFFFFFF  }
0xc1: {  	_ =	task.clear_ibuf [dreg:s6], $0x2FFFF;
	_ =	strace $0x9FFFFFFF  }
0xc2: {  	(tm) =	ssettm $0x7FFFFFFF  }
0xc3: {  	_ =	shalt  }
tec
execute0_lowered:
.L_overlay_start_1:
0x0: {  	(tag) =	ssettag $0x1  }
0x1: {  	s0 =	rddreg [dreg:$0x0]  }
0x2: {  	s2 =	rddreg [dreg:$0x1]  }
0x3: {  	s3 =	simm.s32 $0x0;
	s13 =	stileid.u32;
	s1 =	srdreg.scid  }
0x4: {  	s14 =	simm.s32 $0x2;
	s15 =	simm.s32 $0x80;
	s16 =	simm.s32 $0x1  }
0x5: {  	s17 =	simm.s32 $0x280;
	s18 =	simm.s32 $0xA80;
	s19 =	simm.s32 $0x1280  }
0x6: {  	s20 =	simm.s32 $0x1A80;
	s21 =	simm.s32 $0x2280;
	s22 =	simm.s32 $0x2A80  }
0x7: {  	s28 =	simm.s32 $0x50;
	s29 =	simm.s32 $0x5280;
	[smem:$0x7FF] =	sst s3  }
0x8: {  	s8 =	smul.u32 $0x14000, s13;
	s1 =	sand.u32 $0x1, s1;
	s4 =	sadd.s32 $0x17C00, s0  }
0x9: {  	s5 =	sadd.s32 $0xDE00, s0;
	s6 =	sadd.s32 $0x4000, s0;
	s7 =	sadd.s32 $0x4F9C00, s0  }
0xa: {  	s11 =	smul.u32 $0x50000, s13;
	s26 =	sshll.u32 s13, $0x1;
	s30 =	sshll.u32 s13, $0x6  }
0xb: {  	_ =	strace $0x8000004A;
	s9 =	smul.u32 $0x140000, s1;
	s23 =	ssub.s32 $0x2, s1  }
0xc: {  	s1 =	sor.u32 s1, s26;
	s26 =	simm.s32 $0x4A80;
	s10 =	sshrl.u32 s8, $0x3  }
0xd: {  	s24 =	sshrl.u32 s23, $0x1;
	s25 =	sshrl.u32 s11, $0x2;
	s8 =	sadd.s32 s8, s9  }
0xe: {  	s10 =	sadd.s32 s10, s0;
	s12 =	sadd.s32 s25, s2;
	s8 =	sshrl.u32 s8, $0x3  }
0xf: {  	s9 =	sor.u32 $0x1C02, s30;
	s10 =	sadd.s32 $0x65E00, s10;
	s0 =	sadd.s32 s8, s0  }
0x10: {  	[dreg:$0x3] =	wrdreg s10;
	s10 =	smul.u32 $0x2710, s1;
	s1 =	sshrl.u32 s12, $0x3  }
0x11: {  	v2 =	vlaneseq.u32;
	s8 =	ssub.s32 s23, s24;
	s0 =	sadd.s32 $0x8DE00, s0;
	[dreg:$0x6] =	wrdreg s1  }
0x12: {  	vm0 =	vmmov $0xffff;
	v1 =	vshrl.u32 v2, $0x3;
	s25 =	simm.s32 $0x4280;
	s31 =	smax.u32 s8, $0x1;
	[dreg:$0x4] =	wrdreg s0  }
0x13: {  	v0 =	vand.u32 $0x7, v2;
	v2 =	vor.u32 $0x8, v2;
	v1 =	vmul.u32 $0x8, v1;
	s23 =	simm.s32 $0x3280;
	s24 =	simm.s32 $0x3A80;
	[dreg:$0x5] =	wrdreg s31  }
.LBB2_1:
0x14: {  	s0 =	rddreg [dreg:$0x3]  }
0x15: {  	[spmem:s1], [sflag:s9] =	dma.local [hbm:s0], $0x2800  }
0x16: {  	_ =	swait.ge [sflag:s14], $0x2800  }
0x17: {  	[sflag:s14] =	ssyncset.done $0x0  }
0x18: {  	[sflag:s14] =	ssyncadd.s32 $0xFFFFD800  }
0x19: {  	s13 =	smov.u32 s9;
	s30 =	simm.s32 $0x0;
	[bflag:$0x0] =	sbarrier.arrive $0xFFFF  }
.LBB2_2:
0x1a: {  	s0 =	smul.u32 $0x50, s30;
	_ =	sdelay $0x1  }
0x1b: {  	s0 =	sadd.s32 s10, s0  }
0x1c: {  	s1 =	sshrl.u32 s0, $0x3  }
0x1d: {  	s31 =	simm.s32 $0x0;
	s8 =	sadd.s32 s5, s1  }
0x1e: {  	[tilespmem:s31], [sflag:$0x1] =	stream.linear.gather [hbm4b:s8+s31], $0x50, $0x38;
	[tilespmem:$0x11A80] =	vst v63  }
0x1f: {  	s0 =	sshrl.u32 s0, $0x1;
	s1 =	sadd.s32 s6, s1  }
0x20: {  	[tilespmem:s15], [sflag:$0x1] =	stream.linear.gather [hbm4b:s1+s31], $0x50, $0x38;
	[tilespmem:$0x11A80] =	vst v63  }
0x21: {  	s9 =	sadd.s32 s7, s0;
	s0 =	simm.s32 $0x100  }
0x22: {  	[tilespmem:s0], [sflag:$0x1] =	stream.linear.gather [hbm4b:s9+s31], $0x140, $0x38;
	[tilespmem:$0x11A80] =	vst v63  }
0x23: {  	_ =	swait.ge [sflag:s16], $0x50  }
0x24: {  	[sflag:s16] =	ssyncset.done $0x0  }
0x25: {  	[sflag:s16] =	ssyncadd.s32 $0xFFFFFFB0  }
0x26: {  	_ =	swait.ge [sflag:s16], $0x50  }
0x27: {  	[sflag:s16] =	ssyncset.done $0x0  }
0x28: {  	[sflag:s16] =	ssyncadd.s32 $0xFFFFFFB0  }
0x29: {  	_ =	swait.ge [sflag:s16], $0x140  }
0x2a: {  	[sflag:s16] =	ssyncset.done $0x0  }
0x2b: {  	[sflag:s16] =	ssyncadd.s32 $0xFFFFFEC0  }
0x2c: {  	v3 =	vld [tilespmem:$0x0];
	_ =	sdelay $0x4  }
0x2d: {  	v4 =	vshll.u32 v3, $0x1  }
0x2e: {  	v3 =	vand.u32 $0x7, v3;
	v4 =	vand.u32 $0xFFFFFFF0, v4  }
0x2f: {  	v3 =	vor.u32 v3, v4  }
0x30: {  	v4 =	vperm.xlane v3, v0;
	_ =	sdelay $0x1  }
0x31: {  	v3 =	vperm.xlane v3, v2;
	v4 =	vadd.s32 v1, v4;
	_ =	sdelay $0x1  }
0x32: {  	v3 =	vadd.s32 v1, v3;
	_ =	sdelay $0x2  }
0x33: {  	[tilespmem:s17], [sflag:$0x1] =	stream.indirect_vreg.gather [hbm4b:s4+s31], $0x80, v4, vm0, $0xb8;
	[tilespmem:$0x11A80] =	vst v63  }
0x34: {  	_ = 	snop  }
0x35: {  	[tilespmem:s18], [sflag:$0x1] =	stream.indirect_vreg.gather [hbm4b:s4+s31], $0x80, v3, vm0, $0xb8;
	[tilespmem:$0x11A80] =	vst v63  }
0x36: {  	v3 =	vld [tilespmem:$0x10];
	_ =	sdelay $0x4  }
0x37: {  	v4 =	vshll.u32 v3, $0x1  }
0x38: {  	v3 =	vand.u32 $0x7, v3;
	v4 =	vand.u32 $0xFFFFFFF0, v4  }
0x39: {  	v3 =	vor.u32 v3, v4  }
0x3a: {  	v4 =	vperm.xlane v3, v0;
	_ =	sdelay $0x1  }
0x3b: {  	v3 =	vperm.xlane v3, v2;
	v4 =	vadd.s32 v1, v4;
	_ =	sdelay $0x1  }
0x3c: {  	v3 =	vadd.s32 v1, v3;
	_ =	sdelay $0x2  }
0x3d: {  	[tilespmem:s19], [sflag:$0x1] =	stream.indirect_vreg.gather [hbm4b:s4+s31], $0x80, v4, vm0, $0xb8;
	[tilespmem:$0x11A80] =	vst v63  }
0x3e: {  	_ = 	snop  }
0x3f: {  	[tilespmem:s20], [sflag:$0x1] =	stream.indirect_vreg.gather [hbm4b:s4+s31], $0x80, v3, vm0, $0xb8;
	[tilespmem:$0x11A80] =	vst v63  }
0x40: {  	v3 =	vld [tilespmem:$0x20];
	_ =	sdelay $0x4  }
0x41: {  	v4 =	vshll.u32 v3, $0x1  }
0x42: {  	v3 =	vand.u32 $0x7, v3;
	v4 =	vand.u32 $0xFFFFFFF0, v4  }
0x43: {  	v3 =	vor.u32 v3, v4  }
0x44: {  	v4 =	vperm.xlane v3, v0;
	_ =	sdelay $0x1  }
0x45: {  	v3 =	vperm.xlane v3, v2;
	v4 =	vadd.s32 v1, v4;
	_ =	sdelay $0x1  }
0x46: {  	v3 =	vadd.s32 v1, v3;
	_ =	sdelay $0x2  }
0x47: {  	[tilespmem:s21], [sflag:$0x1] =	stream.indirect_vreg.gather [hbm4b:s4+s31], $0x80, v4, vm0, $0xb8;
	[tilespmem:$0x11A80] =	vst v63  }
0x48: {  	_ = 	snop  }
0x49: {  	[tilespmem:s22], [sflag:$0x1] =	stream.indirect_vreg.gather [hbm4b:s4+s31], $0x80, v3, vm0, $0xb8;
	[tilespmem:$0x11A80] =	vst v63  }
0x4a: {  	v3 =	vld [tilespmem:$0x30];
	_ =	sdelay $0x4  }
0x4b: {  	v4 =	vshll.u32 v3, $0x1  }
0x4c: {  	v3 =	vand.u32 $0x7, v3;
	v4 =	vand.u32 $0xFFFFFFF0, v4  }
0x4d: {  	v3 =	vor.u32 v3, v4  }
0x4e: {  	v4 =	vperm.xlane v3, v0;
	_ =	sdelay $0x1  }
0x4f: {  	v3 =	vperm.xlane v3, v2;
	v4 =	vadd.s32 v1, v4;
	_ =	sdelay $0x1  }
0x50: {  	v3 =	vadd.s32 v1, v3;
	_ =	sdelay $0x2  }
0x51: {  	[tilespmem:s23], [sflag:$0x1] =	stream.indirect_vreg.gather [hbm4b:s4+s31], $0x80, v4, vm0, $0xb8;
	[tilespmem:$0x11A80] =	vst v63  }
0x52: {  	_ = 	snop  }
0x53: {  	[tilespmem:s24], [sflag:$0x1] =	stream.indirect_vreg.gather [hbm4b:s4+s31], $0x80, v3, vm0, $0xb8;
	[tilespmem:$0x11A80] =	vst v63  }
0x54: {  	v3 =	vld [tilespmem:$0x40];
	_ =	sdelay $0x4  }
0x55: {  	v4 =	vshll.u32 v3, $0x1  }
0x56: {  	v3 =	vand.u32 $0x7, v3;
	v4 =	vand.u32 $0xFFFFFFF0, v4  }
0x57: {  	v3 =	vor.u32 v3, v4  }
0x58: {  	v4 =	vperm.xlane v3, v0;
	_ =	sdelay $0x1  }
0x59: {  	v3 =	vperm.xlane v3, v2;
	v4 =	vadd.s32 v1, v4;
	_ =	sdelay $0x1  }
0x5a: {  	v3 =	vadd.s32 v1, v3;
	_ =	sdelay $0x2  }
0x5b: {  	[tilespmem:s25], [sflag:$0x1] =	stream.indirect_vreg.gather [hbm4b:s4+s31], $0x80, v4, vm0, $0xb8;
	[tilespmem:$0x11A80] =	vst v63  }
0x5c: {  	_ = 	snop  }
0x5d: {  	[tilespmem:s26], [sflag:$0x1] =	stream.indirect_vreg.gather [hbm4b:s4+s31], $0x80, v3, vm0, $0xb8;
	[tilespmem:$0x11A80] =	vst v63  }
0x5e: {  	_ =	swait.ge [sflag:s16], $0x5000  }
0x5f: {  	[sflag:s16] =	ssyncset.done $0x0  }
0x60: {  	s11 =	sand.u32 $0x7800, s31;
	s12 =	sand.u32 $0x380, s31;
	[sflag:s16] =	ssyncadd.s32 $0xFFFFB000  }
0x61: {  	s1 =	sor.u32 s12, s11;
	v4 =	vld [tilespmem:s0+$0x0]  }
0x62: {  	v7 =	vld [tilespmem:s1+$0x2C0]  }
0x63: {  	v8 =	vld [tilespmem:s1+$0x280];
	_ =	sdelay $0x1  }
0x64: {  	v9 =	vld [tilespmem:s1+$0x680]  }
0x65: {  	v6 =	vbroadcast v4, $0x0;
	v5 =	vbroadcast v4, $0x1  }
0x66: {  	v10 =	vld [tilespmem:s1+$0x6C0];
	v3 =	vbroadcast v4, $0x2  }
0x67: {  	v8 =	vmul.f32 v8, v6;
	v7 =	vmul.f32 v7, v5;
	_ =	sdelay $0x1  }
0x68: {  	v4 =	vbroadcast v4, $0x3;
	v7 =	vadd.f32 v7, v8;
	v8 =	vmul.f32 v9, v3;
	_ =	sdelay $0x1  }
0x69: {  	v7 =	vadd.f32 v8, v7;
	v8 =	vmul.f32 v10, v4;
	_ =	sdelay $0x1  }
0x6a: {  	v7 =	vadd.f32 v8, v7  }
0x6b: {  	s8 =	simm.s32 $0x52A0  }
0x6c: {  	[tilespmem:s8+$0xFFFFFFE0] =	vst v7  }
0x6d: {  	v7 =	vld [tilespmem:s1+$0x290]  }
0x6e: {  	v8 =	vld [tilespmem:s1+$0x2D0];
	_ =	sdelay $0x1  }
0x6f: {  	v9 =	vld [tilespmem:s1+$0x690];
	_ =	sdelay $0x1  }
0x70: {  	v10 =	vld [tilespmem:s1+$0x6D0]  }
0x71: {  	v7 =	vmul.f32 v7, v6;
	v8 =	vmul.f32 v8, v5;
	_ =	sdelay $0x1  }
0x72: {  	v7 =	vadd.f32 v8, v7;
	v8 =	vmul.f32 v9, v3;
	_ =	sdelay $0x1  }
0x73: {  	v7 =	vadd.f32 v8, v7;
	v8 =	vmul.f32 v10, v4;
	_ =	sdelay $0x1  }
0x74: {  	v7 =	vadd.f32 v8, v7;
	_ =	sdelay $0x1  }
0x75: {  	[tilespmem:s8+$0xFFFFFFF0] =	vst v7  }
0x76: {  	v7 =	vld [tilespmem:s1+$0x2E0]  }
0x77: {  	v8 =	vld [tilespmem:s1+$0x2A0];
	_ =	sdelay $0x1  }
0x78: {  	v9 =	vld [tilespmem:s1+$0x6A0];
	_ =	sdelay $0x1  }
0x79: {  	v10 =	vld [tilespmem:s1+$0x6E0]  }
0x7a: {  	v7 =	vmul.f32 v7, v5;
	v8 =	vmul.f32 v8, v6;
	_ =	sdelay $0x1  }
0x7b: {  	v9 =	vmul.f32 v9, v3;
	v7 =	vadd.f32 v7, v8;
	_ =	sdelay $0x1  }
0x7c: {  	v8 =	vmul.f32 v10, v4;
	v7 =	vadd.f32 v9, v7;
	_ =	sdelay $0x1  }
0x7d: {  	v7 =	vadd.f32 v8, v7;
	_ =	sdelay $0x1  }
0x7e: {  	[tilespmem:s8+$0x0] =	vst v7  }
0x7f: {  	v8 =	vld [tilespmem:s1+$0x2B0]  }
0x80: {  	v9 =	vld [tilespmem:s1+$0x2F0]  }
0x81: {  	s12 =	simm.s32 $0x100;
	s11 =	simm.s32 $0x52A0;
	v7 =	vld [tilespmem:s1+$0x6B0]  }
.LBB2_3:
0x82: {  	v10 =	vld [tilespmem:s1+$0x6F0];
	s0 =	sadd.s32 $0x4, s0;
	s31 =	sadd.s32 $0x80, s31;
	s8 =	sadd.s32 $0x80, s8  }
0x83: {  	p0 =	sne.s32 s12, $0x4F00;
	s1 =	smov.u32 s12;
	s12 =	sadd.s32 $0x100, s12  }
0x84: {  	v6 =	vmul.f32 v8, v6  }
0x85: {  	v5 =	vmul.f32 v9, v5  }
0x86: {  	s1 =	sand.u32 $0x7800, s1;
	s9 =	sand.u32 $0x380, s31;
	v3 =	vmul.f32 v7, v3  }
0x87: {  	s1 =	sor.u32 s9, s1;
	v5 =	vadd.f32 v5, v6;
	v4 =	vmul.f32 v10, v4;
	_ =	sdelay $0x1  }
0x88: {  	v3 =	vadd.f32 v3, v5;
	_ =	sdelay $0x1  }
0x89: {  	v3 =	vadd.f32 v4, v3;
	_ =	sdelay $0x1  }
0x8a: {  	[tilespmem:s11+$0x10] =	vst v3;
	s11 =	smov.u32 s8  }
0x8b: {  	v4 =	vld [tilespmem:s0+$0x0]  }
0x8c: {  	v7 =	vld [tilespmem:s1+$0x2C0]  }
0x8d: {  	v8 =	vld [tilespmem:s1+$0x280];
	_ =	sdelay $0x1  }
0x8e: {  	v9 =	vld [tilespmem:s1+$0x680]  }
0x8f: {  	v6 =	vbroadcast v4, $0x0;
	v5 =	vbroadcast v4, $0x1  }
0x90: {  	v3 =	vbroadcast v4, $0x2;
	v4 =	vbroadcast v4, $0x3;
	v10 =	vld [tilespmem:s1+$0x6C0]  }
0x91: {  	v8 =	vmul.f32 v8, v6;
	v7 =	vmul.f32 v7, v5;
	_ =	sdelay $0x1  }
0x92: {  	v7 =	vadd.f32 v7, v8;
	v8 =	vmul.f32 v9, v3;
	_ =	sdelay $0x1  }
0x93: {  	v7 =	vadd.f32 v8, v7;
	v8 =	vmul.f32 v10, v4;
	_ =	sdelay $0x1  }
0x94: {  	v7 =	vadd.f32 v8, v7;
	_ =	sdelay $0x1  }
0x95: {  	[tilespmem:s8+$0xFFFFFFE0] =	vst v7  }
0x96: {  	v7 =	vld [tilespmem:s1+$0x290]  }
0x97: {  	v8 =	vld [tilespmem:s1+$0x2D0];
	_ =	sdelay $0x1  }
0x98: {  	v9 =	vld [tilespmem:s1+$0x690];
	_ =	sdelay $0x1  }
0x99: {  	v7 =	vmul.f32 v7, v6;
	v10 =	vld [tilespmem:s1+$0x6D0]  }
0x9a: {  	v8 =	vmul.f32 v8, v5;
	_ =	sdelay $0x1  }
0x9b: {  	v7 =	vadd.f32 v8, v7;
	v8 =	vmul.f32 v9, v3;
	_ =	sdelay $0x1  }
0x9c: {  	v7 =	vadd.f32 v8, v7;
	v8 =	vmul.f32 v10, v4;
	_ =	sdelay $0x1  }
0x9d: {  	v7 =	vadd.f32 v8, v7;
	_ =	sdelay $0x1  }
0x9e: {  	[tilespmem:s8+$0xFFFFFFF0] =	vst v7  }
0x9f: {  	v7 =	vld [tilespmem:s1+$0x2E0]  }
0xa0: {  	v8 =	vld [tilespmem:s1+$0x2A0]  }
0xa1: {  	v9 =	vld [tilespmem:s1+$0x6A0]  }
0xa2: {  	v10 =	vld [tilespmem:s1+$0x6E0];
	_ =	sdelay $0x1  }
0xa3: {  	v7 =	vmul.f32 v7, v5  }
0xa4: {  	v8 =	vmul.f32 v8, v6  }
0xa5: {  	v9 =	vmul.f32 v9, v3  }
0xa6: {  	v7 =	vadd.f32 v7, v8;
	v8 =	vmul.f32 v10, v4;
	_ =	sdelay $0x1  }
0xa7: {  	v7 =	vadd.f32 v9, v7;
	_ =	sdelay $0x1  }
0xa8: {  	v7 =	vadd.f32 v8, v7  }
.Ltmp0:
0xa9: {  	(pc) =	sbr.rel @p0 .LBB2_3-.Ltmp0, $4  }
0xaa: {  	[tilespmem:s8+$0x0] =	vst v7  }
0xab: {  	v8 =	vld [tilespmem:s1+$0x2B0]  }
0xac: {  	v9 =	vld [tilespmem:s1+$0x2F0]  }
0xad: {  	v7 =	vld [tilespmem:s1+$0x6B0]  }
0xae: {  	_ =	sdelay $0x1  }
0xaf: {  	v10 =	vld [tilespmem:s1+$0x6F0]  }
0xb0: {  	v6 =	vmul.f32 v8, v6;
	v5 =	vmul.f32 v9, v5;
	_ =	sdelay $0x1  }
0xb1: {  	v3 =	vmul.f32 v7, v3;
	v5 =	vadd.f32 v5, v6;
	_ =	sdelay $0x1  }
0xb2: {  	v4 =	vmul.f32 v10, v4;
	v3 =	vadd.f32 v3, v5;
	_ =	sdelay $0x1  }
0xb3: {  	s30 =	sadd.s32 $0x1, s30;
	v3 =	vadd.f32 v4, v3  }
0xb4: {  	p0 =	sne.s32 s30, $0x7D  }
.Ltmp1:
0xb5: {  	[tilespmem:s11+$0x10] =	vst v3;
	(pc) =	sbr.rel @p0 .LBB2_2-.Ltmp1, $4  }
0xb6: {  	[spmem:s2] =	stream.indirect.scatter.add.f32 [tilespmem:s29], [sflag:$0x2], $0x40, s15, s28, $0xb8;
	[tilespmem:$0x11A80] =	vst v63  }
0xb7: {  	_ =	swait.ge [sflag:s14], $0x1400  }
0xb8: {  	[sflag:s14] =	ssyncset.done $0x0  }
0xb9: {  	[sflag:s14] =	ssyncadd.s32 $0xFFFFEC00  }
0xba: {  	[bflag:$0x0] =	sbarrier.arrive $0xFFFF  }
0xbb: {  	s0 =	rddreg [dreg:$0x4]  }
0xbc: {  	s1 =	rddreg [dreg:$0x6]  }
0xbd: {  	[hbm:s0], [sflag:s13] =	dma.local [spmem:s1], $0x2800  }
0xbe: {  	_ =	swait.ge [sflag:s14], $0x2800  }
0xbf: {  	s3 =	sadd.s32 $0x1, s3;
	s31 =	rddreg [dreg:$0x5]  }
0xc0: {  	p0 =	sne.s32 s3, s31  }
.Ltmp2:
0xc1: {  	_ = 	snop;
	(pc) =	sbr.rel @p0 .LBB2_1-.Ltmp2, $3  }
0xc2: {  	_ =	sdelay $0x1  }
0xc3: {  	[sflag:s14] =	ssyncset.done $0x0  }
0xc4: {  	s9 =	smov.u32 s13;
	[sflag:s14] =	ssyncadd.s32 $0xFFFFD800  }
0xc5: {  	_ =	sfence.sel $0x180000  }
0xc6: {  	[bflag:$0x0] =	sbarrier.arrive $0xFFFF  }
0xc7: {  	_ =	strace $0x9000004A  }
0xc8: {  	s0 =	stileid.u32;
	[bflag:$0x2] =	sbarrier.arrive $0xFFFF  }
0xc9: {  	p0 =	sne.s32 s0, $0x0;
	s0 =	rddreg [dreg:$0x2]  }
0xca: {  	s0 =	sadd.s32 @!p0 $0x100000, s0  }
0xcb: {  	[sflag:s0] =	ssyncadd.tile.s32 @!p0 $0x1;
	_ =	shalt  }
.Lfunc_end2:
_tile_overlayer_lowered:
.L_overlay_start_2:
0xcc: {  	(tag) =	ssettag $0x2  }
0xcd: {  	s0 =	rddreg [dreg:$0x0];
	s2 =	stileid.u32  }
0xce: {  	s1 =	rddreg [dreg:$0x1];
	p0 =	sne.s32 s2, $0x0  }
0xcf: {  	s3 =	rddreg [dreg:$0x2];
	[bflag:$0x3] =	sbarrier.arrive $0xFFFF;
	s2 =	simm.s32 @!p0 $0x1C02  }
0xd0: {  	[timem:s3], [sflag:s2] =	dma.local @!p0 [hbm:s0], s1  }
0xd1: {  	s0 =	simm.s32 @!p0 $0x2  }
0xd2: {  	_ =	swait.ge @!p0 [sflag:s0], s1  }
0xd3: {  	s1 =	ssub.s32 @!p0 $0x0, s1;
	[sflag:s0] =	ssyncset.done @!p0 $0x0  }
0xd4: {  	[sflag:s0] =	ssyncadd.s32 @!p0 s1  }
0xd5: {  	[bflag:$0x3] =	sbarrier.arrive $0xFFFF  }
0xd6: {  	_ =	shalt  }

// kernel: kernel.15.cloned.1.call-start
scs
__scs_entry_jumppad:
0x0: {  	(pc) =	sbr.rel $0x88, $3  }
0x1: {  	(tag) =	ssettag $0x0;
	lr =	simm.s32 $0x1  }
0x2: {  	[smem:$0x3F8C] =	sst lr;
	_ =	strace $0xD0000000  }
0x3: {  	_ = 	snop  }
0x4: {  	_ = 	snop  }
0x5: {  	_ = 	snop  }
0x6: {  	_ = 	snop  }
0x7: {  	_ = 	snop  }
__scs_overlays_trampoline_lowered:
0x8: {  	[smem:$0x3F9B] =	sst s0  }
0x9: {  	[smem:$0x3F9C] =	sst s1  }
0xa: {  	[smem:$0x3F9D] =	sst s2  }
0xb: {  	[smem:$0x3F9E] =	sst s3  }
0xc: {  	[smem:$0x3F9F] =	sst s4  }
0xd: {  	[smem:$0x3FA0] =	sst s5  }
0xe: {  	[smem:$0x3FA1] =	sst s6  }
0xf: {  	[smem:$0x3FA2] =	sst s7  }
0x10: {  	[smem:$0x3FA3] =	sst s8  }
0x11: {  	[smem:$0x3FA4] =	sst s9;
	s0 =	simm.s32 @!p0 $0x0  }
0x12: {  	s1 =	sld [smem:$0x3F8A];
	s0 =	simm.s32 @p0 $0x1  }
0x13: {  	[smem:$0x3FA5] =	sst s0;
	s0 =	simm.s32 @!p1 $0x0  }
0x14: {  	s2 =	sld [smem:$0x3F89];
	s0 =	simm.s32 @p1 $0x1  }
0x15: {  	[smem:$0x3FA6] =	sst s0;
	s0 =	simm.s32 @!p2 $0x0  }
0x16: {  	s3 =	sld [smem:$0x3FDB];
	s0 =	simm.s32 @p2 $0x1  }
0x17: {  	s4 =	simm.s32 $0x1BF5;
	[smem:$0x3FA8] =	sst s0  }
0x18: {  	s0 =	sld [smem:$0x3F8B];
	_ =	swait.ge [sflag:s4], $0x0  }
0x19: {  	s7 =	sld [smem:$0x3F8C]  }
0x1a: {  	s8 =	sadd.s32 $0xFFFFE003, lr  }
0x1b: {  	s9 =	sadd.s32 $0xFFFFFEF7, lr;
	s5 =	simm.s32 $0xFFFFFFFF;
	p2 =	slt.u32 s8, $0xFFFFF086  }
0x1c: {  	p1 =	slt.u32 s9, $0xF7A;
	s5 =	simm.s32 @!p2 $0x0  }
0x1d: {  	s5 =	simm.s32 @p1 $0x1;
	p0 =	seq.s32 s7, s2  }
0x1e: {  	s7 =	smul.u32 @!p0 $0xF7A, s2;
	p2 =	seq.s32 @!p0 s5, $0x0  }
0x1f: {  	s9 =	smul.u32 $0xF7A, s1;
	s8 =	simm.s32 @!p0 $0x1BF5;
	p2 =	por !p2, p0  }
0x20: {  	[sflag:s8] =	ssyncset.s32 @!p0 $0xFFFFF086;
	s6 =	sadd.s32 @!p0 s3, s7;
	s7 =	simm.s32 @!p0 $0x108  }
0x21: {  	s3 =	sadd.s32 s3, s9;
	s6 =	sadd.s32 @!p0 $0x88, s6;
	s7 =	simm.s32 @p2 $0x1082  }
0x22: {  	[simem:s7], [sflag:s8] =	dma.local @!p0 [hbm:s6], $0xF7A  }
0x23: {  	s9 =	sor.u32 $0xD0000000, s2;
	s6 =	simm.s32 $0x108;
	_ =	swait.ge @!p0 [sflag:s8], $0x0  }
0x24: {  	s3 =	sadd.s32 $0x88, s3;
	s6 =	simm.s32 @!p1 $0x1082;
	[sflag:s4] =	ssyncset.s32 $0xFFFFF086  }
0x25: {  	[simem:s6], [sflag:s4] =	dma.local [hbm:s3], $0xF7A  }
0x26: {  	[smem:$0x3F8C] =	sst s1;
	(tag) =	ssettag s2;
	_ =	strace s9  }
0x27: {  	s1 =	sld [smem:$0x3F9C]  }
0x28: {  	s2 =	sld [smem:$0x3F9D]  }
0x29: {  	s4 =	sld [smem:$0x3F9F]  }
0x2a: {  	p0 =	seq.s32 s5, $0x0;
	s5 =	sld [smem:$0x3FA0]  }
0x2b: {  	s6 =	sld [smem:$0x3FA1]  }
0x2c: {  	s7 =	sld [smem:$0x3FA2]  }
0x2d: {  	s3 =	simm.s32 $0x108;
	s8 =	sld [smem:$0x3FA3]  }
0x2e: {  	s3 =	simm.s32 @!p0 $0x1082;
	s9 =	sld [smem:$0x3FA4]  }
0x2f: {  	lr =	sadd.s32 s0, s3;
	s0 =	sld [smem:$0x3F9B]  }
0x30: {  	s3 =	sld [smem:$0x3F9E]  }
0x31: {  	[smem:$0x3FA7] =	sst s10  }
0x32: {  	s10 =	sld [smem:$0x3FA5];
	_ =	sdelay $0x3  }
0x33: {  	p0 =	seq.s32 s10, $0x1;
	s10 =	sld [smem:$0x3FA7];
	_ =	sdelay $0x3  }
0x34: {  	[smem:$0x3FA7] =	sst s10  }
0x35: {  	s10 =	sld [smem:$0x3FA6];
	_ =	sdelay $0x3  }
0x36: {  	p1 =	seq.s32 s10, $0x1;
	s10 =	sld [smem:$0x3FA7];
	_ =	sdelay $0x3  }
0x37: {  	[smem:$0x3FA7] =	sst s10  }
0x38: {  	s10 =	sld [smem:$0x3FA8]  }
0x39: {  	_ = 	snop;
	(pc) =	sbr.ind lr, $3  }
0x3a: {  	_ = 	snop  }
0x3b: {  	_ = 	snop  }
0x3c: {  	p2 =	seq.s32 s10, $0x1;
	s10 =	sld [smem:$0x3FA7]  }
0x3d: {  	_ =	shalt  }
0x3e: {  	_ =	shalt  }
0x3f: {  	_ =	shalt  }
0x40: {  	_ =	shalt  }
0x41: {  	_ =	shalt  }
0x42: {  	_ =	shalt  }
0x43: {  	_ =	shalt  }
0x44: {  	_ =	shalt  }
0x45: {  	_ =	shalt  }
0x46: {  	_ =	shalt  }
0x47: {  	_ =	shalt  }
0x48: {  	_ =	shalt  }
0x49: {  	_ =	shalt  }
0x4a: {  	_ =	shalt  }
0x4b: {  	_ =	shalt  }
0x4c: {  	_ =	shalt  }
0x4d: {  	_ =	shalt  }
0x4e: {  	_ =	shalt  }
0x4f: {  	_ =	shalt  }
0x50: {  	_ =	shalt  }
0x51: {  	_ =	shalt  }
0x52: {  	_ =	shalt  }
0x53: {  	_ =	shalt  }
0x54: {  	_ =	shalt  }
0x55: {  	_ =	shalt  }
0x56: {  	_ =	shalt  }
0x57: {  	_ =	shalt  }
0x58: {  	_ =	shalt  }
0x59: {  	_ =	shalt  }
0x5a: {  	_ =	shalt  }
0x5b: {  	_ =	shalt  }
0x5c: {  	_ =	shalt  }
0x5d: {  	_ =	shalt  }
0x5e: {  	_ =	shalt  }
0x5f: {  	_ =	shalt  }
0x60: {  	_ =	shalt  }
0x61: {  	_ =	shalt  }
0x62: {  	_ =	shalt  }
0x63: {  	_ =	shalt  }
0x64: {  	_ =	shalt  }
0x65: {  	_ =	shalt  }
0x66: {  	_ =	shalt  }
0x67: {  	_ =	shalt  }
0x68: {  	_ =	shalt  }
0x69: {  	_ =	shalt  }
0x6a: {  	_ =	shalt  }
0x6b: {  	_ =	shalt  }
0x6c: {  	_ =	shalt  }
0x6d: {  	_ =	shalt  }
0x6e: {  	_ =	shalt  }
0x6f: {  	_ =	shalt  }
0x70: {  	_ =	shalt  }
0x71: {  	_ =	shalt  }
0x72: {  	_ =	shalt  }
0x73: {  	_ =	shalt  }
0x74: {  	_ =	shalt  }
0x75: {  	_ =	shalt  }
0x76: {  	_ =	shalt  }
0x77: {  	_ =	shalt  }
0x78: {  	_ =	shalt  }
0x79: {  	_ =	shalt  }
0x7a: {  	_ =	shalt  }
0x7b: {  	_ =	shalt  }
0x7c: {  	_ =	shalt  }
0x7d: {  	_ =	shalt  }
0x7e: {  	_ =	shalt  }
0x7f: {  	_ =	shalt  }
0x80: {  	_ =	shalt  }
0x81: {  	_ =	shalt  }
0x82: {  	_ =	shalt  }
0x83: {  	_ =	shalt  }
0x84: {  	_ =	shalt  }
0x85: {  	_ =	shalt  }
0x86: {  	_ =	shalt  }
0x87: {  	_ =	shalt  }
.Lfunc_end0:
.L_simem_size_0:
called_computation.2_lowered:
.L_overlay_start_0:
0x88: {  	s2 =	sld [smem:$0x3FD9]  }
0x89: {  	s3 =	sld [smem:$0x3FFE];
	_ =	sdelay $0x1  }
0x8a: {  	s1 =	srdreg.scid  }
0x8b: {  	s0 =	sand.u32 $0x1, s1  }
0x8c: {  	s17 =	sshll.u32 s0, $0xA;
	s2 =	sadd.s32 s3, s2  }
0x8d: {  	s2 =	sadd.s32 s2, s17  }
0x8e: {  	[smem:$0x3FB3] =	sst s2  }
0x8f: {  	_ = 	snop  }
0x90: {  	s2 =	sld [smem:$0x3FC6]  }
0x91: {  	s18 =	sld [smem:$0x3FC5];
	(tm) =	ssettm $0x1  }
0x92: {  	s4 =	sld [smem:$0x3FFB];
	_ =	sdelay $0x3  }
0x93: {  	_ =	strace s4  }
0x94: {  	s4 =	sld [smem:$0x3FFC];
	_ =	sdelay $0x3  }
0x95: {  	_ =	strace s4  }
0x96: {  	s4 =	sld [smem:$0x3FFD];
	_ =	sdelay $0x3  }
0x97: {  	_ =	strace s4  }
0x98: {  	_ =	strace $0x8FFFFFFF  }
0x99: {  	s19 =	sld [smem:$0x3FDB];
	_ =	sdelay $0x1  }
0x9a: {  	s5 =	simm.s32 $_scs_section_size  }
0x9b: {  	s6 =	simm.s32 $_size__tile_overlayer_lowered;
	s7 =	simm.s32 $_tile_overlayer_lowered  }
0x9c: {  	s22 =	simm.s32 $0x1BFF;
	s21 =	sshll.u32 s7, $0x1;
	s4 =	sadd.s32 s5, s19  }
0x9d: {  	s8 =	simm.s32 $0x0;
	s20 =	sshll.u32 s6, $0x1;
	s6 =	sadd.s32 s21, s4  }
0x9e: {  	[timem:s8], [sflag:s22] =	dma.local [hbm:s6], s20  }
0x9f: {  	_ =	swait.ge [sflag:s22], s20  }
0xa0: {  	s5 =	ssub.s32 $0x0, s20;
	[sflag:s22] =	ssyncset.done $0x0  }
0xa1: {  	[sflag:s22] =	ssyncadd.s32 s5;
	_ =	sdelay $0x1  }
0xa2: {  	s23 =	simm.s32 $0x1B8B  }
0xa3: {  	_ =	swait.ge [sflag:s23], $0x1  }
0xa4: {  	[sflag:s23] =	ssyncset.done $0x0  }
0xa5: {  	s25 =	simm.s32 $0x1B8E;
	s24 =	sld [smem:$0x3FFE];
	[sflag:s23] =	ssyncadd.s32 $0xFFFFFFFF  }
0xa6: {  	s26 =	simm.s32 $execute0_lowered;
	[smem:$0x3FD2] =	sst s25  }
0xa7: {  	s6 =	sshll.u32 s26, $0x1;
	_ =	strace $0x8000004C;
	[dreg:$0x1] =	wrdreg $0xFFFFFFFF  }
0xa8: {  	s28 =	simm.s32 $_size_execute0_lowered;
	s4 =	sadd.s32 s4, s6;
	[dreg:$0x0] =	wrdreg $0x0  }
0xa9: {  	s6 =	sshll.u32 s28, $0x1;
	[dreg:$0x2] =	wrdreg s4  }
0xaa: {  	[dreg:$0x3] =	wrdreg s6  }
0xab: {  	[dreg:$0x4] =	wrdreg $0xC0  }
0xac: {  	_ =	task [dreg:s8], $0x5FFFF  }
0xad: {  	[dreg:$0x1] =	wrdreg $0xFFFFFFFF  }
0xae: {  	[dreg:$0x0] =	wrdreg $0x60  }
0xaf: {  	[dreg:$0x2] =	wrdreg s24  }
0xb0: {  	[dreg:$0x3] =	wrdreg s2  }
0xb1: {  	[dreg:$0x4] =	wrdreg s18  }
0xb2: {  	[dreg:$0x5] =	wrdreg $0x9  }
0xb3: {  	_ =	task.clear_ibuf [dreg:s8], $0x6FFFF;
	_ =	strace $0x9000004C  }
0xb4: {  	s29 =	simm.s32 $0x9;
	_ =	strace $0x8000004E  }
0xb5: {  	_ =	swait.ge [sflag:s29], $0x1  }
0xb6: {  	[sflag:s29] =	ssyncadd.s32 $0xFFFFFFFF  }
0xb7: {  	_ =	strace $0x9000004E  }
0xb8: {  	_ =	sfence  }
0xb9: {  	s30 =	sld [smem:$0x0];
	_ =	sdelay $0x2  }
0xba: {  	s31 =	sshll.u32 s1, $0xD;
	s1 =	sshrl.u32 s1, $0x2  }
0xbb: {  	s3 =	sand.u32 $0x4000, s31;
	s1 =	sadd.s32 s1, s30  }
0xbc: {  	s0 =	sor.u32 s3, s0;
	s1 =	sshll.u32 s1, $0x11  }
0xbd: {  	s0 =	sor.u32 s1, s0  }
0xbe: {  	s0 =	sadd.s32 $0x8F2B, s0  }
0xbf: {  	[sflag:s0] =	ssyncadd.remote.s32 $0x1  }
0xc0: {  	_ =	sfence.sel $0xFFFF  }
0xc1: {  	[dreg:$0x0] =	wrdreg $0xFFFFFFFF;
	(pc) =	sbr.abs _section_cstart, $3  }
0xc2: {  	[dreg:$0x1] =	wrdreg $0xFFFFFFFF  }
0xc3: {  	_ =	task.clear_ibuf [dreg:s8], $0x2FFFF;
	_ =	strace $0x9FFFFFFF  }
0xc4: {  	(tm) =	ssettm $0x7FFFFFFF  }
0xc5: {  	_ =	shalt  }
tec
execute0_lowered:
.L_overlay_start_1:
0x0: {  	(tag) =	ssettag $0x1  }
0x1: {  	s4 =	rddreg [dreg:$0x0]  }
0x2: {  	s5 =	rddreg [dreg:$0x1]  }
0x3: {  	s6 =	rddreg [dreg:$0x2]  }
0x4: {  	s0 =	rddreg [dreg:$0x3];
	s3 =	srdreg.scid  }
0x5: {  	s2 =	simm.s32 $0x0;
	s1 =	stileid.u32;
	s11 =	simm.s32 $0x100  }
0x6: {  	s12 =	simm.s32 $0x1100;
	s13 =	simm.s32 $0x2100;
	s14 =	simm.s32 $0x2  }
0x7: {  	s15 =	simm.s32 $0x0;
	s3 =	sand.u32 $0x1, s3;
	[smem:$0x7FF] =	sst s2  }
0x8: {  	s7 =	sshll.u32 s1, $0x6;
	s8 =	sshll.u32 s3, $0x5;
	s31 =	ssub.s32 $0x2, s3  }
0x9: {  	_ =	strace $0x8000004D;
	s7 =	sor.u32 s8, s7;
	s10 =	sshrl.u32 s31, $0x1  }
0xa: {  	s3 =	sadd.s32 $0x4000, s4;
	s9 =	sshll.u32 s7, $0x4;
	s8 =	ssub.s32 s31, s10  }
0xb: {  	s7 =	sshrl.u32 s7, $0x3;
	s10 =	simm.s32 $0x20;
	s9 =	sadd.s32 s9, s4  }
0xc: {  	s4 =	sadd.s32 s5, s7;
	s5 =	sadd.s32 s6, s7;
	s7 =	smax.u32 s8, $0x1  }
0xd: {  	s8 =	simm.s32 $0x80;
	s6 =	sadd.s32 $0x2B200, s9;
	s9 =	simm.s32 $0x1  }
.LBB2_1:
0xe: {  	[tilespmem:s2], [sflag:$0x1] =	stream.linear.gather [hbm4b:s4+s2], $0x20, $0x38;
	[tilespmem:$0x3100] =	vst v63  }
0xf: {  	_ = 	snop  }
0x10: {  	[tilespmem:s8], [sflag:$0x1] =	stream.linear.gather [hbm4b:s5+s2], $0x20, $0x38;
	[tilespmem:$0x3100] =	vst v63  }
0x11: {  	_ =	swait.ge [sflag:s9], $0x20  }
0x12: {  	[sflag:s9] =	ssyncset.done $0x0  }
0x13: {  	[sflag:s9] =	ssyncadd.s32 $0xFFFFFFE0  }
0x14: {  	_ =	swait.ge [sflag:s9], $0x20  }
0x15: {  	[sflag:s9] =	ssyncset.done $0x0  }
0x16: {  	[sflag:s9] =	ssyncadd.s32 $0xFFFFFFE0  }
0x17: {  	[tilespmem:s11], [sflag:$0x1] =	stream.indirect.gather [hbm4b:s3+s10], $0x80, s2, s10, $0xb8;
	[tilespmem:$0x3100] =	vst v63  }
0x18: {  	_ =	swait.ge [sflag:s9], $0x1000  }
0x19: {  	[sflag:s9] =	ssyncset.done $0x0  }
0x1a: {  	[sflag:s9] =	ssyncadd.s32 $0xFFFFF000  }
0x1b: {  	[tilespmem:s12], [sflag:$0x1] =	stream.indirect.gather [hbm4b:s3+s10], $0x80, s8, s10, $0xb8;
	[tilespmem:$0x3100] =	vst v63  }
0x1c: {  	_ =	swait.ge [sflag:s9], $0x1000  }
0x1d: {  	[sflag:s9] =	ssyncset.done $0x0  }
0x1e: {  	s16 =	simm.s32 $0x0;
	[sflag:s9] =	ssyncadd.s32 $0xFFFFF000  }
0x1f: {  	v2 =	vld [tilespmem:s16+$0x130]  }
0x20: {  	v4 =	vld [tilespmem:s16+$0x1170]  }
0x21: {  	v5 =	vld [tilespmem:s16+$0x100]  }
0x22: {  	v6 =	vld [tilespmem:s16+$0x1140]  }
0x23: {  	v1 =	vld [tilespmem:s16+$0x110]  }
0x24: {  	v3 =	vld [tilespmem:s16+$0x1150]  }
0x25: {  	v0 =	vld [tilespmem:s16+$0x120];
	v7 =	vadd.f32 v4, v2  }
0x26: {  	s17 =	simm.s32 $0x80;
	v4 =	vld [tilespmem:s16+$0x1160]  }
0x27: {  	s18 =	simm.s32 $0x400;
	v2 =	vld [tilespmem:s17+$0x130];
	v5 =	vadd.f32 v6, v5;
	[tilespmem:s16+$0x2130] =	vst v7  }
.LBB2_2:
0x28: {  	p0 =	sne.s32 s18, $0x3E00;
	v6 =	vld [tilespmem:s17+$0x1170]  }
0x29: {  	v7 =	vld [tilespmem:s17+$0x100];
	[tilespmem:s16+$0x2100] =	vst v5;
	v3 =	vadd.f32 v3, v1  }
0x2a: {  	v5 =	vld [tilespmem:s17+$0x1140]  }
.Ltmp0:
0x2b: {  	v1 =	vld [tilespmem:s17+$0x110];
	[tilespmem:s16+$0x2110] =	vst v3;
	v4 =	vadd.f32 v4, v0;
	(pc) =	sbr.rel @p0 .LBB2_2-.Ltmp0, $4  }
0x2c: {  	v3 =	vld [tilespmem:s17+$0x1150]  }
0x2d: {  	v0 =	vld [tilespmem:s17+$0x120];
	v6 =	vadd.f32 v6, v2;
	[tilespmem:s16+$0x2120] =	vst v4;
	s16 =	smov.u32 s17  }
0x2e: {  	s17 =	sshra.s32 s18, $0x2;
	v4 =	vld [tilespmem:s16+$0x1160]  }
0x2f: {  	s18 =	sadd.s32 $0x200, s18;
	v2 =	vld [tilespmem:s17+$0x130];
	v5 =	vadd.f32 v5, v7;
	[tilespmem:s16+$0x2130] =	vst v6  }
0x30: {  	v6 =	vld [tilespmem:s17+$0x1170]  }
0x31: {  	v7 =	vld [tilespmem:s17+$0x100];
	[tilespmem:s16+$0x2100] =	vst v5;
	v1 =	vadd.f32 v3, v1  }
0x32: {  	v62 =	vld [tilespmem:s17+$0x1140]  }
0x33: {  	v5 =	vld [tilespmem:s17+$0x110];
	[tilespmem:s16+$0x2110] =	vst v1;
	v0 =	vadd.f32 v4, v0  }
0x34: {  	v1 =	vld [tilespmem:s17+$0x1150]  }
0x35: {  	v63 =	vld [tilespmem:s17+$0x120];
	[tilespmem:s16+$0x2120] =	vst v0  }
0x36: {  	v0 =	vld [tilespmem:s17+$0x1160];
	_ =	sdelay $0x1  }
0x37: {  	v2 =	vadd.f32 v6, v2  }
0x38: {  	v3 =	vadd.f32 v62, v7  }
0x39: {  	[tilespmem:s17+$0x2130] =	vst v2;
	v1 =	vadd.f32 v1, v5  }
0x3a: {  	s15 =	sadd.s32 $0x1, s15;
	[tilespmem:s17+$0x2100] =	vst v3;
	v0 =	vadd.f32 v0, v63  }
0x3b: {  	p0 =	sne.s32 s15, s7;
	[tilespmem:s17+$0x2110] =	vst v1  }
.Ltmp1:
0x3c: {  	[tilespmem:s17+$0x2120] =	vst v0;
	(pc) =	sbr.rel @p0 .LBB2_1-.Ltmp1, $4  }
0x3d: {  	[hbm4b:s6+s2] =	stream.linear.scatter [tilespmem:s13], [sflag:$0x2], $0x1000, $0x38;
	[tilespmem:$0x3100] =	vst v63  }
0x3e: {  	_ =	swait.ge [sflag:s14], $0x1000  }
0x3f: {  	[sflag:s14] =	ssyncset.done $0x0  }
0x40: {  	[sflag:s14] =	ssyncadd.s32 $0xFFFFF000  }
0x41: {  	_ =	sfence.sel $0x180000  }
0x42: {  	[bflag:$0x0] =	sbarrier.arrive $0xFFFF  }
0x43: {  	p0 =	sne.s32 s1, $0x0;
	_ =	strace $0x9000004D  }
0x44: {  	s0 =	sadd.s32 @!p0 $0x100000, s0;
	[bflag:$0x2] =	sbarrier.arrive $0xFFFF  }
0x45: {  	[sflag:s0] =	ssyncadd.tile.s32 @!p0 $0x1;
	_ =	shalt  }
.Lfunc_end2:
_tile_overlayer_lowered:
.L_overlay_start_2:
0x46: {  	(tag) =	ssettag $0x2  }
0x47: {  	s0 =	rddreg [dreg:$0x0];
	s2 =	stileid.u32  }
0x48: {  	s1 =	rddreg [dreg:$0x1];
	p0 =	sne.s32 s2, $0x0  }
0x49: {  	s3 =	rddreg [dreg:$0x2];
	[bflag:$0x3] =	sbarrier.arrive $0xFFFF;
	s2 =	simm.s32 @!p0 $0x1C02  }
0x4a: {  	[timem:s3], [sflag:s2] =	dma.local @!p0 [hbm:s0], s1  }
0x4b: {  	s0 =	simm.s32 @!p0 $0x2  }
0x4c: {  	_ =	swait.ge @!p0 [sflag:s0], s1  }
0x4d: {  	s1 =	ssub.s32 @!p0 $0x0, s1;
	[sflag:s0] =	ssyncset.done @!p0 $0x0  }
0x4e: {  	[sflag:s0] =	ssyncadd.s32 @!p0 s1  }
0x4f: {  	[bflag:$0x3] =	sbarrier.arrive $0xFFFF  }
0x50: {  	_ =	shalt  }

// kernel: kernel.9.cloned.1.call-start
scs
__scs_entry_jumppad:
0x0: {  	(pc) =	sbr.rel $0x88, $3  }
0x1: {  	(tag) =	ssettag $0x0;
	lr =	simm.s32 $0x1  }
0x2: {  	[smem:$0x3F8C] =	sst lr;
	_ =	strace $0xD0000000  }
0x3: {  	_ = 	snop  }
0x4: {  	_ = 	snop  }
0x5: {  	_ = 	snop  }
0x6: {  	_ = 	snop  }
0x7: {  	_ = 	snop  }
__scs_overlays_trampoline_lowered:
0x8: {  	[smem:$0x3F9B] =	sst s0  }
0x9: {  	[smem:$0x3F9C] =	sst s1  }
0xa: {  	[smem:$0x3F9D] =	sst s2  }
0xb: {  	[smem:$0x3F9E] =	sst s3  }
0xc: {  	[smem:$0x3F9F] =	sst s4  }
0xd: {  	[smem:$0x3FA0] =	sst s5  }
0xe: {  	[smem:$0x3FA1] =	sst s6  }
0xf: {  	[smem:$0x3FA2] =	sst s7  }
0x10: {  	[smem:$0x3FA3] =	sst s8  }
0x11: {  	[smem:$0x3FA4] =	sst s9;
	s0 =	simm.s32 @!p0 $0x0  }
0x12: {  	s1 =	sld [smem:$0x3F8A];
	s0 =	simm.s32 @p0 $0x1  }
0x13: {  	[smem:$0x3FA5] =	sst s0;
	s0 =	simm.s32 @!p1 $0x0  }
0x14: {  	s2 =	sld [smem:$0x3F89];
	s0 =	simm.s32 @p1 $0x1  }
0x15: {  	[smem:$0x3FA6] =	sst s0;
	s0 =	simm.s32 @!p2 $0x0  }
0x16: {  	s3 =	sld [smem:$0x3FDB];
	s0 =	simm.s32 @p2 $0x1  }
0x17: {  	s4 =	simm.s32 $0x1BF5;
	[smem:$0x3FA8] =	sst s0  }
0x18: {  	s0 =	sld [smem:$0x3F8B];
	_ =	swait.ge [sflag:s4], $0x0  }
0x19: {  	s7 =	sld [smem:$0x3F8C]  }
0x1a: {  	s8 =	sadd.s32 $0xFFFFE003, lr  }
0x1b: {  	s9 =	sadd.s32 $0xFFFFFEF7, lr;
	s5 =	simm.s32 $0xFFFFFFFF;
	p2 =	slt.u32 s8, $0xFFFFF086  }
0x1c: {  	p1 =	slt.u32 s9, $0xF7A;
	s5 =	simm.s32 @!p2 $0x0  }
0x1d: {  	s5 =	simm.s32 @p1 $0x1;
	p0 =	seq.s32 s7, s2  }
0x1e: {  	s7 =	smul.u32 @!p0 $0xF7A, s2;
	p2 =	seq.s32 @!p0 s5, $0x0  }
0x1f: {  	s9 =	smul.u32 $0xF7A, s1;
	s8 =	simm.s32 @!p0 $0x1BF5;
	p2 =	por !p2, p0  }
0x20: {  	[sflag:s8] =	ssyncset.s32 @!p0 $0xFFFFF086;
	s6 =	sadd.s32 @!p0 s3, s7;
	s7 =	simm.s32 @!p0 $0x108  }
0x21: {  	s3 =	sadd.s32 s3, s9;
	s6 =	sadd.s32 @!p0 $0x88, s6;
	s7 =	simm.s32 @p2 $0x1082  }
0x22: {  	[simem:s7], [sflag:s8] =	dma.local @!p0 [hbm:s6], $0xF7A  }
0x23: {  	s9 =	sor.u32 $0xD0000000, s2;
	s6 =	simm.s32 $0x108;
	_ =	swait.ge @!p0 [sflag:s8], $0x0  }
0x24: {  	s3 =	sadd.s32 $0x88, s3;
	s6 =	simm.s32 @!p1 $0x1082;
	[sflag:s4] =	ssyncset.s32 $0xFFFFF086  }
0x25: {  	[simem:s6], [sflag:s4] =	dma.local [hbm:s3], $0xF7A  }
0x26: {  	[smem:$0x3F8C] =	sst s1;
	(tag) =	ssettag s2;
	_ =	strace s9  }
0x27: {  	s1 =	sld [smem:$0x3F9C]  }
0x28: {  	s2 =	sld [smem:$0x3F9D]  }
0x29: {  	s4 =	sld [smem:$0x3F9F]  }
0x2a: {  	p0 =	seq.s32 s5, $0x0;
	s5 =	sld [smem:$0x3FA0]  }
0x2b: {  	s6 =	sld [smem:$0x3FA1]  }
0x2c: {  	s7 =	sld [smem:$0x3FA2]  }
0x2d: {  	s3 =	simm.s32 $0x108;
	s8 =	sld [smem:$0x3FA3]  }
0x2e: {  	s3 =	simm.s32 @!p0 $0x1082;
	s9 =	sld [smem:$0x3FA4]  }
0x2f: {  	lr =	sadd.s32 s0, s3;
	s0 =	sld [smem:$0x3F9B]  }
0x30: {  	s3 =	sld [smem:$0x3F9E]  }
0x31: {  	[smem:$0x3FA7] =	sst s10  }
0x32: {  	s10 =	sld [smem:$0x3FA5];
	_ =	sdelay $0x3  }
0x33: {  	p0 =	seq.s32 s10, $0x1;
	s10 =	sld [smem:$0x3FA7];
	_ =	sdelay $0x3  }
0x34: {  	[smem:$0x3FA7] =	sst s10  }
0x35: {  	s10 =	sld [smem:$0x3FA6];
	_ =	sdelay $0x3  }
0x36: {  	p1 =	seq.s32 s10, $0x1;
	s10 =	sld [smem:$0x3FA7];
	_ =	sdelay $0x3  }
0x37: {  	[smem:$0x3FA7] =	sst s10  }
0x38: {  	s10 =	sld [smem:$0x3FA8]  }
0x39: {  	_ = 	snop;
	(pc) =	sbr.ind lr, $3  }
0x3a: {  	_ = 	snop  }
0x3b: {  	_ = 	snop  }
0x3c: {  	p2 =	seq.s32 s10, $0x1;
	s10 =	sld [smem:$0x3FA7]  }
0x3d: {  	_ =	shalt  }
0x3e: {  	_ =	shalt  }
0x3f: {  	_ =	shalt  }
0x40: {  	_ =	shalt  }
0x41: {  	_ =	shalt  }
0x42: {  	_ =	shalt  }
0x43: {  	_ =	shalt  }
0x44: {  	_ =	shalt  }
0x45: {  	_ =	shalt  }
0x46: {  	_ =	shalt  }
0x47: {  	_ =	shalt  }
0x48: {  	_ =	shalt  }
0x49: {  	_ =	shalt  }
0x4a: {  	_ =	shalt  }
0x4b: {  	_ =	shalt  }
0x4c: {  	_ =	shalt  }
0x4d: {  	_ =	shalt  }
0x4e: {  	_ =	shalt  }
0x4f: {  	_ =	shalt  }
0x50: {  	_ =	shalt  }
0x51: {  	_ =	shalt  }
0x52: {  	_ =	shalt  }
0x53: {  	_ =	shalt  }
0x54: {  	_ =	shalt  }
0x55: {  	_ =	shalt  }
0x56: {  	_ =	shalt  }
0x57: {  	_ =	shalt  }
0x58: {  	_ =	shalt  }
0x59: {  	_ =	shalt  }
0x5a: {  	_ =	shalt  }
0x5b: {  	_ =	shalt  }
0x5c: {  	_ =	shalt  }
0x5d: {  	_ =	shalt  }
0x5e: {  	_ =	shalt  }
0x5f: {  	_ =	shalt  }
0x60: {  	_ =	shalt  }
0x61: {  	_ =	shalt  }
0x62: {  	_ =	shalt  }
0x63: {  	_ =	shalt  }
0x64: {  	_ =	shalt  }
0x65: {  	_ =	shalt  }
0x66: {  	_ =	shalt  }
0x67: {  	_ =	shalt  }
0x68: {  	_ =	shalt  }
0x69: {  	_ =	shalt  }
0x6a: {  	_ =	shalt  }
0x6b: {  	_ =	shalt  }
0x6c: {  	_ =	shalt  }
0x6d: {  	_ =	shalt  }
0x6e: {  	_ =	shalt  }
0x6f: {  	_ =	shalt  }
0x70: {  	_ =	shalt  }
0x71: {  	_ =	shalt  }
0x72: {  	_ =	shalt  }
0x73: {  	_ =	shalt  }
0x74: {  	_ =	shalt  }
0x75: {  	_ =	shalt  }
0x76: {  	_ =	shalt  }
0x77: {  	_ =	shalt  }
0x78: {  	_ =	shalt  }
0x79: {  	_ =	shalt  }
0x7a: {  	_ =	shalt  }
0x7b: {  	_ =	shalt  }
0x7c: {  	_ =	shalt  }
0x7d: {  	_ =	shalt  }
0x7e: {  	_ =	shalt  }
0x7f: {  	_ =	shalt  }
0x80: {  	_ =	shalt  }
0x81: {  	_ =	shalt  }
0x82: {  	_ =	shalt  }
0x83: {  	_ =	shalt  }
0x84: {  	_ =	shalt  }
0x85: {  	_ =	shalt  }
0x86: {  	_ =	shalt  }
0x87: {  	_ =	shalt  }
.Lfunc_end0:
.L_simem_size_0:
called_computation_lowered:
.L_overlay_start_0:
0x88: {  	s2 =	sld [smem:$0x3FD9]  }
0x89: {  	s3 =	sld [smem:$0x3FFE];
	_ =	sdelay $0x1  }
0x8a: {  	s1 =	srdreg.scid  }
0x8b: {  	s0 =	sand.u32 $0x1, s1  }
0x8c: {  	s16 =	sshll.u32 s0, $0xA;
	s2 =	sadd.s32 s3, s2  }
0x8d: {  	s2 =	sadd.s32 s2, s16  }
0x8e: {  	[smem:$0x3FB3] =	sst s2  }
0x8f: {  	_ = 	snop  }
0x90: {  	(tm) =	ssettm $0x1  }
0x91: {  	s17 =	sld [smem:$0x3FFB];
	_ =	sdelay $0x3  }
0x92: {  	_ =	strace s17  }
0x93: {  	s2 =	sld [smem:$0x3FFC];
	_ =	sdelay $0x3  }
0x94: {  	_ =	strace s2  }
0x95: {  	s2 =	sld [smem:$0x3FFD];
	_ =	sdelay $0x3  }
0x96: {  	_ =	strace s2  }
0x97: {  	_ =	strace $0x8FFFFFFF  }
0x98: {  	s18 =	sld [smem:$0x3FDB];
	_ =	sdelay $0x1  }
0x99: {  	s19 =	simm.s32 $_scs_section_size  }
0x9a: {  	s4 =	simm.s32 $_size__tile_overlayer_lowered;
	s5 =	simm.s32 $_tile_overlayer_lowered  }
0x9b: {  	s22 =	simm.s32 $0x1BFF;
	s21 =	sshll.u32 s5, $0x1;
	s2 =	sadd.s32 s19, s18  }
0x9c: {  	s6 =	simm.s32 $0x0;
	s20 =	sshll.u32 s4, $0x1;
	s4 =	sadd.s32 s21, s2  }
0x9d: {  	[timem:s6], [sflag:s22] =	dma.local [hbm:s4], s20  }
0x9e: {  	_ =	swait.ge [sflag:s22], s20  }
0x9f: {  	s3 =	ssub.s32 $0x0, s20;
	[sflag:s22] =	ssyncset.done $0x0  }
0xa0: {  	[sflag:s22] =	ssyncadd.s32 s3;
	_ =	sdelay $0x1  }
0xa1: {  	s23 =	simm.s32 $0x1B8B  }
0xa2: {  	_ =	swait.ge [sflag:s23], $0x1  }
0xa3: {  	[sflag:s23] =	ssyncset.done $0x0  }
0xa4: {  	s25 =	simm.s32 $0x1B8E;
	s24 =	sld [smem:$0x3FFE];
	[sflag:s23] =	ssyncadd.s32 $0xFFFFFFFF  }
0xa5: {  	s26 =	simm.s32 $execute0_lowered;
	[smem:$0x3FD2] =	sst s25  }
0xa6: {  	s4 =	sshll.u32 s26, $0x1;
	_ =	strace $0x80000046;
	[dreg:$0x1] =	wrdreg $0xFFFFFFFF  }
0xa7: {  	s28 =	simm.s32 $_size_execute0_lowered;
	s2 =	sadd.s32 s2, s4;
	[dreg:$0x0] =	wrdreg $0x0  }
0xa8: {  	s4 =	sshll.u32 s28, $0x1;
	[dreg:$0x2] =	wrdreg s2  }
0xa9: {  	[dreg:$0x3] =	wrdreg s4  }
0xaa: {  	[dreg:$0x4] =	wrdreg $0xC0  }
0xab: {  	_ =	task [dreg:s6], $0x5FFFF  }
0xac: {  	[dreg:$0x1] =	wrdreg $0xFFFFFFFF  }
0xad: {  	[dreg:$0x0] =	wrdreg $0x60  }
0xae: {  	[dreg:$0x2] =	wrdreg s24  }
0xaf: {  	[dreg:$0x3] =	wrdreg $0x7A800  }
0xb0: {  	[dreg:$0x4] =	wrdreg $0x9  }
0xb1: {  	_ =	task.clear_ibuf [dreg:s6], $0x5FFFF;
	_ =	strace $0x90000046  }
0xb2: {  	s29 =	simm.s32 $0x9;
	_ =	strace $0x80000048  }
0xb3: {  	_ =	swait.ge [sflag:s29], $0x1  }
0xb4: {  	[sflag:s29] =	ssyncadd.s32 $0xFFFFFFFF  }
0xb5: {  	_ =	strace $0x90000048  }
0xb6: {  	_ =	sfence  }
0xb7: {  	s30 =	sld [smem:$0x0];
	_ =	sdelay $0x2  }
0xb8: {  	s31 =	sshll.u32 s1, $0xD;
	s1 =	sshrl.u32 s1, $0x2  }
0xb9: {  	s3 =	sand.u32 $0x4000, s31;
	s1 =	sadd.s32 s1, s30  }
0xba: {  	s0 =	sor.u32 s3, s0;
	s1 =	sshll.u32 s1, $0x11  }
0xbb: {  	s0 =	sor.u32 s1, s0  }
0xbc: {  	s0 =	sadd.s32 $0x8F2B, s0  }
0xbd: {  	[sflag:s0] =	ssyncadd.remote.s32 $0x1  }
0xbe: {  	_ =	sfence.sel $0xFFFF  }
0xbf: {  	[dreg:$0x0] =	wrdreg $0xFFFFFFFF;
	(pc) =	sbr.abs _section_cstart, $3  }
0xc0: {  	[dreg:$0x1] =	wrdreg $0xFFFFFFFF  }
0xc1: {  	_ =	task.clear_ibuf [dreg:s6], $0x2FFFF;
	_ =	strace $0x9FFFFFFF  }
0xc2: {  	(tm) =	ssettm $0x7FFFFFFF  }
0xc3: {  	_ =	shalt  }
tec
execute0_lowered:
.L_overlay_start_1:
0x0: {  	(tag) =	ssettag $0x1  }
0x1: {  	s0 =	rddreg [dreg:$0x0]  }
0x2: {  	s2 =	rddreg [dreg:$0x1]  }
0x3: {  	s3 =	simm.s32 $0x0;
	s13 =	stileid.u32;
	s1 =	srdreg.scid  }
0x4: {  	s14 =	simm.s32 $0x2;
	s15 =	simm.s32 $0x80;
	s16 =	simm.s32 $0x1  }
0x5: {  	s17 =	simm.s32 $0x280;
	s18 =	simm.s32 $0xA80;
	s19 =	simm.s32 $0x1280  }
0x6: {  	s20 =	simm.s32 $0x1A80;
	s21 =	simm.s32 $0x2280;
	s22 =	simm.s32 $0x2A80  }
0x7: {  	s28 =	simm.s32 $0x50;
	s29 =	simm.s32 $0x5280;
	[smem:$0x7FF] =	sst s3  }
0x8: {  	s8 =	smul.u32 $0x14000, s13;
	s1 =	sand.u32 $0x1, s1;
	s4 =	sadd.s32 $0x17C00, s0  }
0x9: {  	s5 =	sadd.s32 $0xDE00, s0;
	s6 =	sadd.s32 $0x4000, s0;
	s7 =	sadd.s32 $0x4F9C00, s0  }
0xa: {  	s11 =	smul.u32 $0x50000, s13;
	s26 =	sshll.u32 s13, $0x1;
	s30 =	sshll.u32 s13, $0x6  }
0xb: {  	_ =	strace $0x80000047;
	s9 =	smul.u32 $0x140000, s1;
	s23 =	ssub.s32 $0x2, s1  }
0xc: {  	s1 =	sor.u32 s1, s26;
	s26 =	simm.s32 $0x4A80;
	s10 =	sshrl.u32 s8, $0x3  }
0xd: {  	s24 =	sshrl.u32 s23, $0x1;
	s25 =	sshrl.u32 s11, $0x2;
	s8 =	sadd.s32 s8, s9  }
0xe: {  	s10 =	sadd.s32 s10, s0;
	s12 =	sadd.s32 s25, s2;
	s8 =	sshrl.u32 s8, $0x3  }
0xf: {  	s9 =	sor.u32 $0x1C02, s30;
	s10 =	sadd.s32 $0x65E00, s10;
	s0 =	sadd.s32 s8, s0  }
0x10: {  	[dreg:$0x3] =	wrdreg s10;
	s10 =	smul.u32 $0x2710, s1;
	s1 =	sshrl.u32 s12, $0x3  }
0x11: {  	v2 =	vlaneseq.u32;
	s8 =	ssub.s32 s23, s24;
	s0 =	sadd.s32 $0x8DE00, s0;
	[dreg:$0x6] =	wrdreg s1  }
0x12: {  	vm0 =	vmmov $0xffff;
	v1 =	vshrl.u32 v2, $0x3;
	s25 =	simm.s32 $0x4280;
	s31 =	smax.u32 s8, $0x1;
	[dreg:$0x4] =	wrdreg s0  }
0x13: {  	v0 =	vand.u32 $0x7, v2;
	v2 =	vor.u32 $0x8, v2;
	v1 =	vmul.u32 $0x8, v1;
	s23 =	simm.s32 $0x3280;
	s24 =	simm.s32 $0x3A80;
	[dreg:$0x5] =	wrdreg s31  }
.LBB2_1:
0x14: {  	s0 =	rddreg [dreg:$0x3]  }
0x15: {  	[spmem:s1], [sflag:s9] =	dma.local [hbm:s0], $0x2800  }
0x16: {  	_ =	swait.ge [sflag:s14], $0x2800  }
0x17: {  	[sflag:s14] =	ssyncset.done $0x0  }
0x18: {  	[sflag:s14] =	ssyncadd.s32 $0xFFFFD800  }
0x19: {  	s13 =	smov.u32 s9;
	s30 =	simm.s32 $0x0;
	[bflag:$0x0] =	sbarrier.arrive $0xFFFF  }
.LBB2_2:
0x1a: {  	s0 =	smul.u32 $0x50, s30;
	_ =	sdelay $0x1  }
0x1b: {  	s0 =	sadd.s32 s10, s0  }
0x1c: {  	s1 =	sshrl.u32 s0, $0x3  }
0x1d: {  	s31 =	simm.s32 $0x0;
	s8 =	sadd.s32 s5, s1  }
0x1e: {  	[tilespmem:s31], [sflag:$0x1] =	stream.linear.gather [hbm4b:s8+s31], $0x50, $0x38;
	[tilespmem:$0x11A80] =	vst v63  }
0x1f: {  	s0 =	sshrl.u32 s0, $0x1;
	s1 =	sadd.s32 s6, s1  }
0x20: {  	[tilespmem:s15], [sflag:$0x1] =	stream.linear.gather [hbm4b:s1+s31], $0x50, $0x38;
	[tilespmem:$0x11A80] =	vst v63  }
0x21: {  	s9 =	sadd.s32 s7, s0;
	s0 =	simm.s32 $0x100  }
0x22: {  	[tilespmem:s0], [sflag:$0x1] =	stream.linear.gather [hbm4b:s9+s31], $0x140, $0x38;
	[tilespmem:$0x11A80] =	vst v63  }
0x23: {  	_ =	swait.ge [sflag:s16], $0x50  }
0x24: {  	[sflag:s16] =	ssyncset.done $0x0  }
0x25: {  	[sflag:s16] =	ssyncadd.s32 $0xFFFFFFB0  }
0x26: {  	_ =	swait.ge [sflag:s16], $0x50  }
0x27: {  	[sflag:s16] =	ssyncset.done $0x0  }
0x28: {  	[sflag:s16] =	ssyncadd.s32 $0xFFFFFFB0  }
0x29: {  	_ =	swait.ge [sflag:s16], $0x140  }
0x2a: {  	[sflag:s16] =	ssyncset.done $0x0  }
0x2b: {  	[sflag:s16] =	ssyncadd.s32 $0xFFFFFEC0  }
0x2c: {  	v3 =	vld [tilespmem:$0x0];
	_ =	sdelay $0x4  }
0x2d: {  	v4 =	vshll.u32 v3, $0x1  }
0x2e: {  	v3 =	vand.u32 $0x7, v3;
	v4 =	vand.u32 $0xFFFFFFF0, v4  }
0x2f: {  	v3 =	vor.u32 v3, v4  }
0x30: {  	v4 =	vperm.xlane v3, v0;
	_ =	sdelay $0x1  }
0x31: {  	v3 =	vperm.xlane v3, v2;
	v4 =	vadd.s32 v1, v4;
	_ =	sdelay $0x1  }
0x32: {  	v3 =	vadd.s32 v1, v3;
	_ =	sdelay $0x2  }
0x33: {  	[tilespmem:s17], [sflag:$0x1] =	stream.indirect_vreg.gather [hbm4b:s4+s31], $0x80, v4, vm0, $0xb8;
	[tilespmem:$0x11A80] =	vst v63  }
0x34: {  	_ = 	snop  }
0x35: {  	[tilespmem:s18], [sflag:$0x1] =	stream.indirect_vreg.gather [hbm4b:s4+s31], $0x80, v3, vm0, $0xb8;
	[tilespmem:$0x11A80] =	vst v63  }
0x36: {  	v3 =	vld [tilespmem:$0x10];
	_ =	sdelay $0x4  }
0x37: {  	v4 =	vshll.u32 v3, $0x1  }
0x38: {  	v3 =	vand.u32 $0x7, v3;
	v4 =	vand.u32 $0xFFFFFFF0, v4  }
0x39: {  	v3 =	vor.u32 v3, v4  }
0x3a: {  	v4 =	vperm.xlane v3, v0;
	_ =	sdelay $0x1  }
0x3b: {  	v3 =	vperm.xlane v3, v2;
	v4 =	vadd.s32 v1, v4;
	_ =	sdelay $0x1  }
0x3c: {  	v3 =	vadd.s32 v1, v3;
	_ =	sdelay $0x2  }
0x3d: {  	[tilespmem:s19], [sflag:$0x1] =	stream.indirect_vreg.gather [hbm4b:s4+s31], $0x80, v4, vm0, $0xb8;
	[tilespmem:$0x11A80] =	vst v63  }
0x3e: {  	_ = 	snop  }
0x3f: {  	[tilespmem:s20], [sflag:$0x1] =	stream.indirect_vreg.gather [hbm4b:s4+s31], $0x80, v3, vm0, $0xb8;
	[tilespmem:$0x11A80] =	vst v63  }
0x40: {  	v3 =	vld [tilespmem:$0x20];
	_ =	sdelay $0x4  }
0x41: {  	v4 =	vshll.u32 v3, $0x1  }
0x42: {  	v3 =	vand.u32 $0x7, v3;
	v4 =	vand.u32 $0xFFFFFFF0, v4  }
0x43: {  	v3 =	vor.u32 v3, v4  }
0x44: {  	v4 =	vperm.xlane v3, v0;
	_ =	sdelay $0x1  }
0x45: {  	v3 =	vperm.xlane v3, v2;
	v4 =	vadd.s32 v1, v4;
	_ =	sdelay $0x1  }
0x46: {  	v3 =	vadd.s32 v1, v3;
	_ =	sdelay $0x2  }
0x47: {  	[tilespmem:s21], [sflag:$0x1] =	stream.indirect_vreg.gather [hbm4b:s4+s31], $0x80, v4, vm0, $0xb8;
	[tilespmem:$0x11A80] =	vst v63  }
0x48: {  	_ = 	snop  }
0x49: {  	[tilespmem:s22], [sflag:$0x1] =	stream.indirect_vreg.gather [hbm4b:s4+s31], $0x80, v3, vm0, $0xb8;
	[tilespmem:$0x11A80] =	vst v63  }
0x4a: {  	v3 =	vld [tilespmem:$0x30];
	_ =	sdelay $0x4  }
0x4b: {  	v4 =	vshll.u32 v3, $0x1  }
0x4c: {  	v3 =	vand.u32 $0x7, v3;
	v4 =	vand.u32 $0xFFFFFFF0, v4  }
0x4d: {  	v3 =	vor.u32 v3, v4  }
0x4e: {  	v4 =	vperm.xlane v3, v0;
	_ =	sdelay $0x1  }
0x4f: {  	v3 =	vperm.xlane v3, v2;
	v4 =	vadd.s32 v1, v4;
	_ =	sdelay $0x1  }
0x50: {  	v3 =	vadd.s32 v1, v3;
	_ =	sdelay $0x2  }
0x51: {  	[tilespmem:s23], [sflag:$0x1] =	stream.indirect_vreg.gather [hbm4b:s4+s31], $0x80, v4, vm0, $0xb8;
	[tilespmem:$0x11A80] =	vst v63  }
0x52: {  	_ = 	snop  }
0x53: {  	[tilespmem:s24], [sflag:$0x1] =	stream.indirect_vreg.gather [hbm4b:s4+s31], $0x80, v3, vm0, $0xb8;
	[tilespmem:$0x11A80] =	vst v63  }
0x54: {  	v3 =	vld [tilespmem:$0x40];
	_ =	sdelay $0x4  }
0x55: {  	v4 =	vshll.u32 v3, $0x1  }
0x56: {  	v3 =	vand.u32 $0x7, v3;
	v4 =	vand.u32 $0xFFFFFFF0, v4  }
0x57: {  	v3 =	vor.u32 v3, v4  }
0x58: {  	v4 =	vperm.xlane v3, v0;
	_ =	sdelay $0x1  }
0x59: {  	v3 =	vperm.xlane v3, v2;
	v4 =	vadd.s32 v1, v4;
	_ =	sdelay $0x1  }
0x5a: {  	v3 =	vadd.s32 v1, v3;
	_ =	sdelay $0x2  }
0x5b: {  	[tilespmem:s25], [sflag:$0x1] =	stream.indirect_vreg.gather [hbm4b:s4+s31], $0x80, v4, vm0, $0xb8;
	[tilespmem:$0x11A80] =	vst v63  }
0x5c: {  	_ = 	snop  }
0x5d: {  	[tilespmem:s26], [sflag:$0x1] =	stream.indirect_vreg.gather [hbm4b:s4+s31], $0x80, v3, vm0, $0xb8;
	[tilespmem:$0x11A80] =	vst v63  }
0x5e: {  	_ =	swait.ge [sflag:s16], $0x5000  }
0x5f: {  	[sflag:s16] =	ssyncset.done $0x0  }
0x60: {  	s11 =	sand.u32 $0x7800, s31;
	s12 =	sand.u32 $0x380, s31;
	[sflag:s16] =	ssyncadd.s32 $0xFFFFB000  }
0x61: {  	s1 =	sor.u32 s12, s11;
	v4 =	vld [tilespmem:s0+$0x0]  }
0x62: {  	v7 =	vld [tilespmem:s1+$0x2C0]  }
0x63: {  	v8 =	vld [tilespmem:s1+$0x280];
	_ =	sdelay $0x1  }
0x64: {  	v9 =	vld [tilespmem:s1+$0x680]  }
0x65: {  	v6 =	vbroadcast v4, $0x0;
	v5 =	vbroadcast v4, $0x1  }
0x66: {  	v10 =	vld [tilespmem:s1+$0x6C0];
	v3 =	vbroadcast v4, $0x2  }
0x67: {  	v8 =	vmul.f32 v8, v6;
	v7 =	vmul.f32 v7, v5;
	_ =	sdelay $0x1  }
0x68: {  	v4 =	vbroadcast v4, $0x3;
	v7 =	vadd.f32 v7, v8;
	v8 =	vmul.f32 v9, v3;
	_ =	sdelay $0x1  }
0x69: {  	v7 =	vadd.f32 v8, v7;
	v8 =	vmul.f32 v10, v4;
	_ =	sdelay $0x1  }
0x6a: {  	v7 =	vadd.f32 v8, v7  }
0x6b: {  	s8 =	simm.s32 $0x52A0  }
0x6c: {  	[tilespmem:s8+$0xFFFFFFE0] =	vst v7  }
0x6d: {  	v7 =	vld [tilespmem:s1+$0x290]  }
0x6e: {  	v8 =	vld [tilespmem:s1+$0x2D0];
	_ =	sdelay $0x1  }
0x6f: {  	v9 =	vld [tilespmem:s1+$0x690];
	_ =	sdelay $0x1  }
0x70: {  	v10 =	vld [tilespmem:s1+$0x6D0]  }
0x71: {  	v7 =	vmul.f32 v7, v6;
	v8 =	vmul.f32 v8, v5;
	_ =	sdelay $0x1  }
0x72: {  	v7 =	vadd.f32 v8, v7;
	v8 =	vmul.f32 v9, v3;
	_ =	sdelay $0x1  }
0x73: {  	v7 =	vadd.f32 v8, v7;
	v8 =	vmul.f32 v10, v4;
	_ =	sdelay $0x1  }
0x74: {  	v7 =	vadd.f32 v8, v7;
	_ =	sdelay $0x1  }
0x75: {  	[tilespmem:s8+$0xFFFFFFF0] =	vst v7  }
0x76: {  	v7 =	vld [tilespmem:s1+$0x2E0]  }
0x77: {  	v8 =	vld [tilespmem:s1+$0x2A0];
	_ =	sdelay $0x1  }
0x78: {  	v9 =	vld [tilespmem:s1+$0x6A0];
	_ =	sdelay $0x1  }
0x79: {  	v10 =	vld [tilespmem:s1+$0x6E0]  }
0x7a: {  	v7 =	vmul.f32 v7, v5;
	v8 =	vmul.f32 v8, v6;
	_ =	sdelay $0x1  }
0x7b: {  	v9 =	vmul.f32 v9, v3;
	v7 =	vadd.f32 v7, v8;
	_ =	sdelay $0x1  }
0x7c: {  	v8 =	vmul.f32 v10, v4;
	v7 =	vadd.f32 v9, v7;
	_ =	sdelay $0x1  }
0x7d: {  	v7 =	vadd.f32 v8, v7;
	_ =	sdelay $0x1  }
0x7e: {  	[tilespmem:s8+$0x0] =	vst v7  }
0x7f: {  	v8 =	vld [tilespmem:s1+$0x2B0]  }
0x80: {  	v9 =	vld [tilespmem:s1+$0x2F0]  }
0x81: {  	s12 =	simm.s32 $0x100;
	s11 =	simm.s32 $0x52A0;
	v7 =	vld [tilespmem:s1+$0x6B0]  }
.LBB2_3:
0x82: {  	v10 =	vld [tilespmem:s1+$0x6F0];
	s0 =	sadd.s32 $0x4, s0;
	s31 =	sadd.s32 $0x80, s31;
	s8 =	sadd.s32 $0x80, s8  }
0x83: {  	p0 =	sne.s32 s12, $0x4F00;
	s1 =	smov.u32 s12;
	s12 =	sadd.s32 $0x100, s12  }
0x84: {  	v6 =	vmul.f32 v8, v6  }
0x85: {  	v5 =	vmul.f32 v9, v5  }
0x86: {  	s1 =	sand.u32 $0x7800, s1;
	s9 =	sand.u32 $0x380, s31;
	v3 =	vmul.f32 v7, v3  }
0x87: {  	s1 =	sor.u32 s9, s1;
	v5 =	vadd.f32 v5, v6;
	v4 =	vmul.f32 v10, v4;
	_ =	sdelay $0x1  }
0x88: {  	v3 =	vadd.f32 v3, v5;
	_ =	sdelay $0x1  }
0x89: {  	v3 =	vadd.f32 v4, v3;
	_ =	sdelay $0x1  }
0x8a: {  	[tilespmem:s11+$0x10] =	vst v3;
	s11 =	smov.u32 s8  }
0x8b: {  	v4 =	vld [tilespmem:s0+$0x0]  }
0x8c: {  	v7 =	vld [tilespmem:s1+$0x2C0]  }
0x8d: {  	v8 =	vld [tilespmem:s1+$0x280];
	_ =	sdelay $0x1  }
0x8e: {  	v9 =	vld [tilespmem:s1+$0x680]  }
0x8f: {  	v6 =	vbroadcast v4, $0x0;
	v5 =	vbroadcast v4, $0x1  }
0x90: {  	v3 =	vbroadcast v4, $0x2;
	v4 =	vbroadcast v4, $0x3;
	v10 =	vld [tilespmem:s1+$0x6C0]  }
0x91: {  	v8 =	vmul.f32 v8, v6;
	v7 =	vmul.f32 v7, v5;
	_ =	sdelay $0x1  }
0x92: {  	v7 =	vadd.f32 v7, v8;
	v8 =	vmul.f32 v9, v3;
	_ =	sdelay $0x1  }
0x93: {  	v7 =	vadd.f32 v8, v7;
	v8 =	vmul.f32 v10, v4;
	_ =	sdelay $0x1  }
0x94: {  	v7 =	vadd.f32 v8, v7;
	_ =	sdelay $0x1  }
0x95: {  	[tilespmem:s8+$0xFFFFFFE0] =	vst v7  }
0x96: {  	v7 =	vld [tilespmem:s1+$0x290]  }
0x97: {  	v8 =	vld [tilespmem:s1+$0x2D0];
	_ =	sdelay $0x1  }
0x98: {  	v9 =	vld [tilespmem:s1+$0x690];
	_ =	sdelay $0x1  }
0x99: {  	v7 =	vmul.f32 v7, v6;
	v10 =	vld [tilespmem:s1+$0x6D0]  }
0x9a: {  	v8 =	vmul.f32 v8, v5;
	_ =	sdelay $0x1  }
0x9b: {  	v7 =	vadd.f32 v8, v7;
	v8 =	vmul.f32 v9, v3;
	_ =	sdelay $0x1  }
0x9c: {  	v7 =	vadd.f32 v8, v7;
	v8 =	vmul.f32 v10, v4;
	_ =	sdelay $0x1  }
0x9d: {  	v7 =	vadd.f32 v8, v7;
	_ =	sdelay $0x1  }
0x9e: {  	[tilespmem:s8+$0xFFFFFFF0] =	vst v7  }
0x9f: {  	v7 =	vld [tilespmem:s1+$0x2E0]  }
0xa0: {  	v8 =	vld [tilespmem:s1+$0x2A0]  }
0xa1: {  	v9 =	vld [tilespmem:s1+$0x6A0]  }
0xa2: {  	v10 =	vld [tilespmem:s1+$0x6E0];
	_ =	sdelay $0x1  }
0xa3: {  	v7 =	vmul.f32 v7, v5  }
0xa4: {  	v8 =	vmul.f32 v8, v6  }
0xa5: {  	v9 =	vmul.f32 v9, v3  }
0xa6: {  	v7 =	vadd.f32 v7, v8;
	v8 =	vmul.f32 v10, v4;
	_ =	sdelay $0x1  }
0xa7: {  	v7 =	vadd.f32 v9, v7;
	_ =	sdelay $0x1  }
0xa8: {  	v7 =	vadd.f32 v8, v7  }
.Ltmp0:
0xa9: {  	(pc) =	sbr.rel @p0 .LBB2_3-.Ltmp0, $4  }
0xaa: {  	[tilespmem:s8+$0x0] =	vst v7  }
0xab: {  	v8 =	vld [tilespmem:s1+$0x2B0]  }
0xac: {  	v9 =	vld [tilespmem:s1+$0x2F0]  }
0xad: {  	v7 =	vld [tilespmem:s1+$0x6B0]  }
0xae: {  	_ =	sdelay $0x1  }
0xaf: {  	v10 =	vld [tilespmem:s1+$0x6F0]  }
0xb0: {  	v6 =	vmul.f32 v8, v6;
	v5 =	vmul.f32 v9, v5;
	_ =	sdelay $0x1  }
0xb1: {  	v3 =	vmul.f32 v7, v3;
	v5 =	vadd.f32 v5, v6;
	_ =	sdelay $0x1  }
0xb2: {  	v4 =	vmul.f32 v10, v4;
	v3 =	vadd.f32 v3, v5;
	_ =	sdelay $0x1  }
0xb3: {  	s30 =	sadd.s32 $0x1, s30;
	v3 =	vadd.f32 v4, v3  }
0xb4: {  	p0 =	sne.s32 s30, $0x7D  }
.Ltmp1:
0xb5: {  	[tilespmem:s11+$0x10] =	vst v3;
	(pc) =	sbr.rel @p0 .LBB2_2-.Ltmp1, $4  }
0xb6: {  	[spmem:s2] =	stream.indirect.scatter.add.f32 [tilespmem:s29], [sflag:$0x2], $0x40, s15, s28, $0xb8;
	[tilespmem:$0x11A80] =	vst v63  }
0xb7: {  	_ =	swait.ge [sflag:s14], $0x1400  }
0xb8: {  	[sflag:s14] =	ssyncset.done $0x0  }
0xb9: {  	[sflag:s14] =	ssyncadd.s32 $0xFFFFEC00  }
0xba: {  	[bflag:$0x0] =	sbarrier.arrive $0xFFFF  }
0xbb: {  	s0 =	rddreg [dreg:$0x4]  }
0xbc: {  	s1 =	rddreg [dreg:$0x6]  }
0xbd: {  	[hbm:s0], [sflag:s13] =	dma.local [spmem:s1], $0x2800  }
0xbe: {  	_ =	swait.ge [sflag:s14], $0x2800  }
0xbf: {  	s3 =	sadd.s32 $0x1, s3;
	s31 =	rddreg [dreg:$0x5]  }
0xc0: {  	p0 =	sne.s32 s3, s31  }
.Ltmp2:
0xc1: {  	_ = 	snop;
	(pc) =	sbr.rel @p0 .LBB2_1-.Ltmp2, $3  }
0xc2: {  	_ =	sdelay $0x1  }
0xc3: {  	[sflag:s14] =	ssyncset.done $0x0  }
0xc4: {  	s9 =	smov.u32 s13;
	[sflag:s14] =	ssyncadd.s32 $0xFFFFD800  }
0xc5: {  	_ =	sfence.sel $0x180000  }
0xc6: {  	[bflag:$0x0] =	sbarrier.arrive $0xFFFF  }
0xc7: {  	_ =	strace $0x90000047  }
0xc8: {  	s0 =	stileid.u32;
	[bflag:$0x2] =	sbarrier.arrive $0xFFFF  }
0xc9: {  	p0 =	sne.s32 s0, $0x0;
	s0 =	rddreg [dreg:$0x2]  }
0xca: {  	s0 =	sadd.s32 @!p0 $0x100000, s0  }
0xcb: {  	[sflag:s0] =	ssyncadd.tile.s32 @!p0 $0x1;
	_ =	shalt  }
.Lfunc_end2:
_tile_overlayer_lowered:
.L_overlay_start_2:
0xcc: {  	(tag) =	ssettag $0x2  }
0xcd: {  	s0 =	rddreg [dreg:$0x0];
	s2 =	stileid.u32  }
0xce: {  	s1 =	rddreg [dreg:$0x1];
	p0 =	sne.s32 s2, $0x0  }
0xcf: {  	s3 =	rddreg [dreg:$0x2];
	[bflag:$0x3] =	sbarrier.arrive $0xFFFF;
	s2 =	simm.s32 @!p0 $0x1C02  }
0xd0: {  	[timem:s3], [sflag:s2] =	dma.local @!p0 [hbm:s0], s1  }
0xd1: {  	s0 =	simm.s32 @!p0 $0x2  }
0xd2: {  	_ =	swait.ge @!p0 [sflag:s0], s1  }
0xd3: {  	s1 =	ssub.s32 @!p0 $0x0, s1;
	[sflag:s0] =	ssyncset.done @!p0 $0x0  }
0xd4: {  	[sflag:s0] =	ssyncadd.s32 @!p0 s1  }
0xd5: {  	[bflag:$0x3] =	sbarrier.arrive $0xFFFF  }
0xd6: {  	_ =	shalt  }

</sc_bundles>
